<compile_context>
chip_gen: v7x
topology: tpu7x:2x2x1
jax: 0.10.2.dev20260603
libtpu: 0.0.44.dev20260713+nightly
codegen_flags: <defaults>
</compile_context>

<pallas_src>
import jax
import jax.numpy as jnp
from jax import lax
from jax.experimental import pallas as pl
from jax.experimental.pallas import tpu as pltpu, tpu_sc as plsc

NUM_FIELDS = 26
VOCAB = 100000
DIM = 64
BATCH = 4096

NC, NS, L = 2, 16, 16
FPC = NUM_FIELDS // NC
DPS = DIM // NS
NPIECE = 2
PS = (50048, 49952)
PO = (0, 50048)
NPOS = FPC * DPS * NPIECE
CHUNKS = BATCH // L
UNROLL = 8


def _acc_body(idx_hbm, wt_hbm, part_hbm, idxv, b0, b1, acc, s0, s1):
    cid = lax.axis_index("c")
    sid = lax.axis_index("s")
    bufs = (b0, b1)
    sems = (s0, s1)

    def zstep(i, _):
        acc[pl.ds(i * L, L)] = jnp.zeros((L,), jnp.float32)
        return 0

    lax.fori_loop(0, DPS * BATCH // L, zstep, 0)

    iota = lax.iota(jnp.int32, L)

    def src(pos, k):
        fi = pos // (DPS * NPIECE)
        dslot = (pos // NPIECE) % DPS
        f = cid * FPC + fi
        d = sid * DPS + dslot
        return wt_hbm.at[f, d, pl.ds(PO[k], PS[k])]

    pltpu.async_copy(src(0, 0), bufs[0], sems[0])

    def compute(dslot, k):
        lo = jnp.int32(PO[k])
        hi = jnp.int32(PO[k] + PS[k])
        base_f = dslot * BATCH
        buf = bufs[k]

        def kstep(kk, _):
            for j in range(UNROLL):
                b0_ = kk * (L * UNROLL) + j * L
                v = idxv[pl.ds(b0_, L)]
                fidx = iota + (base_f + b0_)
                if k == 0:
                    m = v < hi
                else:
                    m = v >= lo
                col = jnp.where(m, v - lo, 0)
                val = plsc.load_gather(buf, [col], mask=m)
                plsc.addupdate_scatter(acc, [fidx], val, mask=m)
            return 0

        lax.fori_loop(0, CHUNKS // UNROLL, kstep, 0)

    def pos_step(pos, _):
        fi = pos // (DPS * NPIECE)
        piece = pos % NPIECE
        f = cid * FPC + fi

        @pl.when(pos % (DPS * NPIECE) == 0)
        def _():
            pltpu.sync_copy(idx_hbm.at[f], idxv)

        for k in range(NPIECE):
            @pl.when(piece == k)
            def _(k=k):
                dslot = (pos // NPIECE) % DPS

                @pl.when(pos + 1 < NPOS)
                def _():
                    pltpu.async_copy(
                        src(pos + 1, 1 - k), bufs[1 - k], sems[1 - k]
                    )

                pltpu.make_async_copy(src(pos, k), bufs[k], sems[k]).wait()
                compute(dslot, k)

        return 0

    lax.fori_loop(0, NPOS, pos_step, 0)

    for dslot in range(DPS):
        d = sid * DPS + dslot
        pltpu.sync_copy(
            acc.at[pl.ds(dslot * BATCH, BATCH)], part_hbm.at[cid, d]
        )


def _combine_body(part_hbm, out_hbm, p0v, p1v, ov):
    wid = lax.axis_index("s") * NC + lax.axis_index("c")
    scale = jnp.float32(1.0 / NUM_FIELDS)
    pltpu.sync_copy(part_hbm.at[0, :, pl.ds(wid * 128, 128)], p0v)
    pltpu.sync_copy(part_hbm.at[1, :, pl.ds(wid * 128, 128)], p1v)

    def rstep(r, _):
        for j in range(128 // L):
            s = pl.ds(j * L, L)
            ov[r, s] = (p0v[r, s] + p1v[r, s]) * scale
        return 0

    lax.fori_loop(0, DIM, rstep, 0)
    pltpu.sync_copy(ov, out_hbm.at[:, pl.ds(wid * 128, 128)])


@jax.jit
def _multi_embedding(idx2d, wt):
    mesh = plsc.VectorSubcoreMesh(core_axis_name="c", subcore_axis_name="s")
    k1 = pl.kernel(
        _acc_body,
        out_type=jax.ShapeDtypeStruct((NC, DIM, BATCH), jnp.float32),
        mesh=mesh,
        scratch_types=[
            pltpu.VMEM((BATCH,), jnp.int32),
            pltpu.VMEM((PS[0],), jnp.float32),
            pltpu.VMEM((PS[1],), jnp.float32),
            pltpu.VMEM((DPS * BATCH,), jnp.float32),
            pltpu.SemaphoreType.DMA,
            pltpu.SemaphoreType.DMA,
        ],
        compiler_params=pltpu.CompilerParams(
            use_tc_tiling_on_sc=True, needs_layout_passes=False
        ),
    )
    k2 = pl.kernel(
        _combine_body,
        out_type=jax.ShapeDtypeStruct((DIM, BATCH), jnp.float32),
        mesh=mesh,
        scratch_types=[
            pltpu.VMEM((DIM, 128), jnp.float32),
            pltpu.VMEM((DIM, 128), jnp.float32),
            pltpu.VMEM((DIM, 128), jnp.float32),
        ],
        compiler_params=pltpu.CompilerParams(
            use_tc_tiling_on_sc=True, needs_layout_passes=False
        ),
    )
    part = k1(idx2d, wt)
    return k2(part)


def kernel(xs, W):
    idx2d = xs[:, :, 0].astype(jnp.int32)
    wt = jnp.transpose(W, (0, 2, 1))
    out_t = _multi_embedding(idx2d, wt)
    return jnp.transpose(out_t)

# --- scband reference (transcript-rebuilt; emitter-appended) ---
"""Pipeline reference for scband-multi-embedding-51823075393749 (READ-ONLY COPY).

The authoritative reference and input builder live on the scoring server;
editing this copy changes nothing except your own understanding.
"""

import jax, jax.numpy as jnp
import numpy as np

NUM_FIELDS = 26
VOCAB = 100000
DIM = 64
BATCH = 4096


def setup_inputs(seed: int = 0) -> dict:
    key = jax.random.key(seed)
    k_idx, k_w = jax.random.split(key)
    # xs: one [BATCH, 1] index tensor per field, stacked along dim 0.
    # Iterating the torch tensor along dim 0 yields the per-field index tensors.
    xs = jax.random.randint(k_idx, (NUM_FIELDS, BATCH, 1), 0, VOCAB)
    # One embedding table per field, stacked: [NUM_FIELDS, VOCAB, DIM]
    W = jax.random.normal(k_w, (NUM_FIELDS, VOCAB, DIM), dtype=jnp.float32)
    return {"xs": xs, "W": W}


def reference(xs, W):
    # Per-field embedding lookup: embeddings[i] = W[i][xs[i]] -> [BATCH, 1, DIM]
    emb = jax.vmap(lambda tab, idx: jnp.take(tab, idx, axis=0))(W, xs)  # [F, B, 1, D]
    # torch.cat(embeddings, dim=1) -> [B, F, D]
    cat = jnp.transpose(emb[:, :, 0, :], (1, 0, 2))  # [B, F, D]
    # aggr='mean' -> torch.mean(cat, dim=1)
    return jnp.mean(cat, axis=1)  # [B, D]

if __name__ == "__main__":
    import jax
    _d = setup_inputs()
    print(jax.jit(kernel)(*tuple(_d.values())))

</pallas_src>

<mosaic_0001>
#map = affine_map<(d0, d1) -> (0, 0)>
#map1 = affine_map<(d0, d1) -> (0, 0, 0)>
module attributes {stable_mosaic.version = 14 : i64} {
  func.func @_acc_body(%arg0: i32, %arg1: i32, %arg2: memref<26x4096xi32, #tpu.memory_space<hbm>>, %arg3: memref<26x64x100000xf32, #tpu.memory_space<hbm>>, %arg4: memref<2x64x4096xf32, #tpu.memory_space<hbm>>, %arg5: memref<4096xi32, #tpu.memory_space<vmem>>, %arg6: memref<50048xf32, #tpu.memory_space<vmem>>, %arg7: memref<49952xf32, #tpu.memory_space<vmem>>, %arg8: memref<16384xf32, #tpu.memory_space<vmem>>, %arg9: memref<!tpu.dma_semaphore, #tpu.memory_space<semaphore_mem>>, %arg10: memref<!tpu.dma_semaphore, #tpu.memory_space<semaphore_mem>>) attributes {dimension_semantics = [#tpu.dimension_semantics<core_parallel>, #tpu.dimension_semantics<subcore_parallel>], iteration_bounds = array<i64: 2, 16>, scalar_prefetch = 0 : i64, scratch_operands = 6 : i64, tpu.core_type = #tpu.core_type<sc_vector_subcore>, window_params = [{transform_indices = #map}, {transform_indices = #map1}, {transform_indices = #map1}]} {
    %scan3A = arith.constant 0 : i32
    %scan3A_0 = arith.constant 0 : i32
    %scan3A_1 = arith.constant 1024 : i32
    %scan3A_2 = arith.addi %scan3A_0, %scan3A_1 : i32
    %scan3A_3 = arith.constant 1 : i32
    %scan3A_4 = scf.for %scan3A_40 = %scan3A_0 to %scan3A_2 step %scan3A_3 iter_args(%scan3A_41 = %scan3A) -> (i32)  : i32 {
      %broadcast_in_dim3A = arith.constant 0.000000e+00 : f32
      %broadcast_in_dim3A_42 = vector.broadcast %broadcast_in_dim3A : f32 to vector<16xf32>
      %mul3A_43 = arith.constant 16 : i32
      %mul3A_44 = arith.muli %scan3A_40, %mul3A_43 : i32
      %swap3A = arith.index_cast %mul3A_44 : i32 to index
      %swap3A_45 = tpu.vector_load %arg8[%swap3A] {strides = array<i32>} : memref<16384xf32, #tpu.memory_space<vmem>>, vector<16xf32>,
      tpu.vector_store %arg8[%swap3A], %broadcast_in_dim3A_42 {strides = array<i32>} : memref<16384xf32, #tpu.memory_space<vmem>>, vector<16xf32>,
      %scan3A_46 = arith.constant 0 : i32
      scf.yield %scan3A_46 : i32
    }
    %scan3A_5 = arith.constant 1024 : i32
    %iota3A = tpu.iota {dimensions = array<i32: 0>} : vector<16xi32>
    %mul3A = arith.constant 13 : i32
    %mul3A_6 = arith.muli %arg0, %mul3A : i32
    %add3A = arith.constant 0 : i32
    %add3A_7 = arith.addi %mul3A_6, %add3A : i32
    %mul3A_8 = arith.constant 4 : i32
    %mul3A_9 = arith.muli %arg1, %mul3A_8 : i32
    %add3A_10 = arith.constant 0 : i32
    %add3A_11 = arith.addi %mul3A_9, %add3A_10 : i32
    %dma_start3A = arith.constant 0 : i32
    %dma_start3A_12 = tpu.memref_slice %arg3[%add3A_7, %add3A_11, %dma_start3A] : memref<26x64x100000xf32, #tpu.memory_space<hbm>> -> memref<1x1x50048xf32, #tpu.memory_space<hbm>>
    %dma_start3A_13 = tpu.memref_squeeze %dma_start3A_12 : memref<1x1x50048xf32, #tpu.memory_space<hbm>> -> memref<50048xf32, #tpu.memory_space<hbm>>
    %dma_start3A_14 = arith.constant 0 : i32
    %dma_start3A_15 = tpu.memref_slice %arg3[%add3A_7, %add3A_11, %dma_start3A_14] : memref<26x64x100000xf32, #tpu.memory_space<hbm>> -> memref<1x1x50048xf32, #tpu.memory_space<hbm>>
    %dma_start3A_16 = tpu.memref_squeeze %dma_start3A_15 : memref<1x1x50048xf32, #tpu.memory_space<hbm>> -> memref<50048xf32, #tpu.memory_space<hbm>>
    tpu.enqueue_dma source(%dma_start3A_16 : memref<50048xf32, #tpu.memory_space<hbm>>) target(%arg6 : memref<50048xf32, #tpu.memory_space<vmem>>) target_semaphore(%arg9 : memref<!tpu.dma_semaphore, #tpu.memory_space<semaphore_mem>>)
    %scan3A_17 = arith.constant 0 : i32
    %scan3A_18 = arith.constant 0 : i32
    %scan3A_19 = arith.constant 104 : i32
    %scan3A_20 = arith.addi %scan3A_18, %scan3A_19 : i32
    %scan3A_21 = arith.constant 1 : i32
    %scan3A_22 = scf.for %scan3A_40 = %scan3A_18 to %scan3A_20 step %scan3A_21 iter_args(%scan3A_41 = %scan3A_17) -> (i32)  : i32 {
      %jit3A = arith.constant 8 : i32
      %div3A = arith.divsi %scan3A_40, %jit3A : i32
      %sign3A = arith.constant 0 : i32
      %sign3A_42 = arith.cmpi sgt, %scan3A_40, %sign3A : i32
      %sign3A_43 = arith.extui %sign3A_42 : i1 to i32
      %sign3A_44 = arith.constant 0 : i32
      %sign3A_45 = arith.cmpi slt, %scan3A_40, %sign3A_44 : i32
      %sign3A_46 = arith.extui %sign3A_45 : i1 to i32
      %sign3A_47 = arith.subi %sign3A_43, %sign3A_46 : i32
      %sign3A_48 = arith.constant 0 : i32
      %sign3A_49 = arith.cmpi sgt, %jit3A, %sign3A_48 : i32
      %sign3A_50 = arith.extui %sign3A_49 : i1 to i32
      %sign3A_51 = arith.constant 0 : i32
      %sign3A_52 = arith.cmpi slt, %jit3A, %sign3A_51 : i32
      %sign3A_53 = arith.extui %sign3A_52 : i1 to i32
      %sign3A_54 = arith.subi %sign3A_50, %sign3A_53 : i32
      %ne3A = arith.cmpi ne, %sign3A_47, %sign3A_54 : i32
      %rem3A = arith.remsi %scan3A_40, %jit3A : i32
      %ne3A_55 = arith.constant 0 : i32
      %ne3A_56 = arith.cmpi ne, %rem3A, %ne3A_55 : i32
      %and3A = arith.andi %ne3A, %ne3A_56 : i1
      %sub3A = arith.constant 1 : i32
      %sub3A_57 = arith.subi %div3A, %sub3A : i32
      %select_n3A = arith.select %and3A, %sub3A_57, %div3A : i32
      %jit3A_58 = arith.constant 2 : i32
      %eq3A = arith.constant 0 : i32
      %eq3A_59 = arith.cmpi eq, %jit3A_58, %eq3A : i32
      %jit3A_60 = arith.constant 1 : i32
      %select_n3A_61 = arith.select %eq3A_59, %jit3A_60, %jit3A_58 : i32
      %rem3A_62 = arith.remsi %scan3A_40, %select_n3A_61 : i32
      %ne3A_63 = arith.constant 0 : i32
      %ne3A_64 = arith.cmpi ne, %rem3A_62, %ne3A_63 : i32
      %lt3A = arith.constant 0 : i32
      %lt3A_65 = arith.cmpi slt, %rem3A_62, %lt3A : i32
      %lt3A_66 = arith.constant 0 : i32
      %lt3A_67 = arith.cmpi slt, %select_n3A_61, %lt3A_66 : i32
      %ne3A_68 = arith.xori %lt3A_65, %lt3A_67 : i1
      %and3A_69 = arith.andi %ne3A_68, %ne3A_64 : i1
      %add3A_70 = arith.addi %rem3A_62, %select_n3A_61 : i32
      %select_n3A_71 = arith.select %and3A_69, %add3A_70, %rem3A_62 : i32
      %mul3A_72 = arith.constant 13 : i32
      %mul3A_73 = arith.muli %arg0, %mul3A_72 : i32
      %add3A_74 = arith.addi %mul3A_73, %select_n3A : i32
      %jit3A_75 = arith.constant 8 : i32
      %eq3A_76 = arith.constant 0 : i32
      %eq3A_77 = arith.cmpi eq, %jit3A_75, %eq3A_76 : i32
      %jit3A_78 = arith.constant 1 : i32
      %select_n3A_79 = arith.select %eq3A_77, %jit3A_78, %jit3A_75 : i32
      %rem3A_80 = arith.remsi %scan3A_40, %select_n3A_79 : i32
      %ne3A_81 = arith.constant 0 : i32
      %ne3A_82 = arith.cmpi ne, %rem3A_80, %ne3A_81 : i32
      %lt3A_83 = arith.constant 0 : i32
      %lt3A_84 = arith.cmpi slt, %rem3A_80, %lt3A_83 : i32
      %lt3A_85 = arith.constant 0 : i32
      %lt3A_86 = arith.cmpi slt, %select_n3A_79, %lt3A_85 : i32
      %ne3A_87 = arith.xori %lt3A_84, %lt3A_86 : i1
      %and3A_88 = arith.andi %ne3A_87, %ne3A_82 : i1
      %add3A_89 = arith.addi %rem3A_80, %select_n3A_79 : i32
      %select_n3A_90 = arith.select %and3A_88, %add3A_89, %rem3A_80 : i32
      %eq3A_91 = arith.constant 0 : i32
      %eq3A_92 = arith.cmpi eq, %select_n3A_90, %eq3A_91 : i32
      %convert_element_type3A = arith.extui %eq3A_92 : i1 to i32
      %cond3A = arith.constant 0 : i32
      %cond3A_93 = arith.cmpi ne, %convert_element_type3A, %cond3A : i32
      scf.if %cond3A_93 {
        "tpu.region"() ({
          %run_scoped3A = tpu.sem_alloc : memref<!tpu.dma_semaphore, #tpu.memory_space<semaphore_mem>>
          %dma_start3A_105 = arith.constant 0 : i32
          %dma_start3A_106 = tpu.memref_slice %arg2[%add3A_74, %dma_start3A_105] : memref<26x4096xi32, #tpu.memory_space<hbm>> -> memref<1x4096xi32, #tpu.memory_space<hbm>>
          %dma_start3A_107 = tpu.memref_squeeze %dma_start3A_106 : memref<1x4096xi32, #tpu.memory_space<hbm>> -> memref<4096xi32, #tpu.memory_space<hbm>>
          %dma_start3A_108 = arith.constant 0 : i32
          %dma_start3A_109 = tpu.memref_slice %arg2[%add3A_74, %dma_start3A_108] : memref<26x4096xi32, #tpu.memory_space<hbm>> -> memref<1x4096xi32, #tpu.memory_space<hbm>>
          %dma_start3A_110 = tpu.memref_squeeze %dma_start3A_109 : memref<1x4096xi32, #tpu.memory_space<hbm>> -> memref<4096xi32, #tpu.memory_space<hbm>>
          tpu.enqueue_dma source(%dma_start3A_110 : memref<4096xi32, #tpu.memory_space<hbm>>) target(%arg5 : memref<4096xi32, #tpu.memory_space<vmem>>) target_semaphore(%run_scoped3A : memref<!tpu.dma_semaphore, #tpu.memory_space<semaphore_mem>>)
          %dma_wait3A = arith.constant 0 : i32
          %dma_wait3A_111 = tpu.memref_slice %arg2[%add3A_74, %dma_wait3A] : memref<26x4096xi32, #tpu.memory_space<hbm>> -> memref<1x4096xi32, #tpu.memory_space<hbm>>
          %dma_wait3A_112 = tpu.memref_squeeze %dma_wait3A_111 : memref<1x4096xi32, #tpu.memory_space<hbm>> -> memref<4096xi32, #tpu.memory_space<hbm>>
          %dma_wait3A_113 = arith.constant 0 : i32
          %dma_wait3A_114 = tpu.memref_slice %arg2[%add3A_74, %dma_wait3A_113] : memref<26x4096xi32, #tpu.memory_space<hbm>> -> memref<1x4096xi32, #tpu.memory_space<hbm>>
          %dma_wait3A_115 = tpu.memref_squeeze %dma_wait3A_114 : memref<1x4096xi32, #tpu.memory_space<hbm>> -> memref<4096xi32, #tpu.memory_space<hbm>>
          tpu.wait_dma2 semaphore(%run_scoped3A : memref<!tpu.dma_semaphore, #tpu.memory_space<semaphore_mem>>) src(%dma_wait3A_115 : memref<4096xi32, #tpu.memory_space<hbm>>) dst(%arg5 : memref<4096xi32, #tpu.memory_space<vmem>>)
          tpu.yield
        }) : () -> ()
      } else {
      }
      %eq3A_94 = arith.constant 0 : i32
      %eq3A_95 = arith.cmpi eq, %select_n3A_71, %eq3A_94 : i32
      %convert_element_type3A_96 = arith.extui %eq3A_95 : i1 to i32
      %cond3A_97 = arith.constant 0 : i32
      %cond3A_98 = arith.cmpi ne, %convert_element_type3A_96, %cond3A_97 : i32
      scf.if %cond3A_98 {
        %jit3A_105 = arith.constant 2 : i32
        %div3A_106 = arith.divsi %scan3A_40, %jit3A_105 : i32
        %sign3A_107 = arith.constant 0 : i32
        %sign3A_108 = arith.cmpi sgt, %scan3A_40, %sign3A_107 : i32
        %sign3A_109 = arith.extui %sign3A_108 : i1 to i32
        %sign3A_110 = arith.constant 0 : i32
        %sign3A_111 = arith.cmpi slt, %scan3A_40, %sign3A_110 : i32
        %sign3A_112 = arith.extui %sign3A_111 : i1 to i32
        %sign3A_113 = arith.subi %sign3A_109, %sign3A_112 : i32
        %sign3A_114 = arith.constant 0 : i32
        %sign3A_115 = arith.cmpi sgt, %jit3A_105, %sign3A_114 : i32
        %sign3A_116 = arith.extui %sign3A_115 : i1 to i32
        %sign3A_117 = arith.constant 0 : i32
        %sign3A_118 = arith.cmpi slt, %jit3A_105, %sign3A_117 : i32
        %sign3A_119 = arith.extui %sign3A_118 : i1 to i32
        %sign3A_120 = arith.subi %sign3A_116, %sign3A_119 : i32
        %ne3A_121 = arith.cmpi ne, %sign3A_113, %sign3A_120 : i32
        %rem3A_122 = arith.remsi %scan3A_40, %jit3A_105 : i32
        %ne3A_123 = arith.constant 0 : i32
        %ne3A_124 = arith.cmpi ne, %rem3A_122, %ne3A_123 : i32
        %and3A_125 = arith.andi %ne3A_121, %ne3A_124 : i1
        %sub3A_126 = arith.constant 1 : i32
        %sub3A_127 = arith.subi %div3A_106, %sub3A_126 : i32
        %select_n3A_128 = arith.select %and3A_125, %sub3A_127, %div3A_106 : i32
        %jit3A_129 = arith.constant 4 : i32
        %eq3A_130 = arith.constant 0 : i32
        %eq3A_131 = arith.cmpi eq, %jit3A_129, %eq3A_130 : i32
        %jit3A_132 = arith.constant 1 : i32
        %select_n3A_133 = arith.select %eq3A_131, %jit3A_132, %jit3A_129 : i32
        %rem3A_134 = arith.remsi %select_n3A_128, %select_n3A_133 : i32
        %ne3A_135 = arith.constant 0 : i32
        %ne3A_136 = arith.cmpi ne, %rem3A_134, %ne3A_135 : i32
        %lt3A_137 = arith.constant 0 : i32
        %lt3A_138 = arith.cmpi slt, %rem3A_134, %lt3A_137 : i32
        %lt3A_139 = arith.constant 0 : i32
        %lt3A_140 = arith.cmpi slt, %select_n3A_133, %lt3A_139 : i32
        %ne3A_141 = arith.xori %lt3A_138, %lt3A_140 : i1
        %and3A_142 = arith.andi %ne3A_141, %ne3A_136 : i1
        %add3A_143 = arith.addi %rem3A_134, %select_n3A_133 : i32
        %select_n3A_144 = arith.select %and3A_142, %add3A_143, %rem3A_134 : i32
        %add3A_145 = arith.constant 1 : i32
        %add3A_146 = arith.addi %scan3A_40, %add3A_145 : i32
        %lt3A_147 = arith.constant 104 : i32
        %lt3A_148 = arith.cmpi slt, %add3A_146, %lt3A_147 : i32
        %convert_element_type3A_149 = arith.extui %lt3A_148 : i1 to i32
        %cond3A_150 = arith.constant 0 : i32
        %cond3A_151 = arith.cmpi ne, %convert_element_type3A_149, %cond3A_150 : i32
        scf.if %cond3A_151 {
          %add3A_238 = arith.constant 1 : i32
          %add3A_239 = arith.addi %scan3A_40, %add3A_238 : i32
          %jit3A_240 = arith.constant 8 : i32
          %div3A_241 = arith.divsi %add3A_239, %jit3A_240 : i32
          %sign3A_242 = arith.constant 0 : i32
          %sign3A_243 = arith.cmpi sgt, %add3A_239, %sign3A_242 : i32
          %sign3A_244 = arith.extui %sign3A_243 : i1 to i32
          %sign3A_245 = arith.constant 0 : i32
          %sign3A_246 = arith.cmpi slt, %add3A_239, %sign3A_245 : i32
          %sign3A_247 = arith.extui %sign3A_246 : i1 to i32
          %sign3A_248 = arith.subi %sign3A_244, %sign3A_247 : i32
          %sign3A_249 = arith.constant 0 : i32
          %sign3A_250 = arith.cmpi sgt, %jit3A_240, %sign3A_249 : i32
          %sign3A_251 = arith.extui %sign3A_250 : i1 to i32
          %sign3A_252 = arith.constant 0 : i32
          %sign3A_253 = arith.cmpi slt, %jit3A_240, %sign3A_252 : i32
          %sign3A_254 = arith.extui %sign3A_253 : i1 to i32
          %sign3A_255 = arith.subi %sign3A_251, %sign3A_254 : i32
          %ne3A_256 = arith.cmpi ne, %sign3A_248, %sign3A_255 : i32
          %rem3A_257 = arith.remsi %add3A_239, %jit3A_240 : i32
          %ne3A_258 = arith.constant 0 : i32
          %ne3A_259 = arith.cmpi ne, %rem3A_257, %ne3A_258 : i32
          %and3A_260 = arith.andi %ne3A_256, %ne3A_259 : i1
          %sub3A_261 = arith.constant 1 : i32
          %sub3A_262 = arith.subi %div3A_241, %sub3A_261 : i32
          %select_n3A_263 = arith.select %and3A_260, %sub3A_262, %div3A_241 : i32
          %jit3A_264 = arith.constant 2 : i32
          %div3A_265 = arith.divsi %add3A_239, %jit3A_264 : i32
          %sign3A_266 = arith.constant 0 : i32
          %sign3A_267 = arith.cmpi sgt, %add3A_239, %sign3A_266 : i32
          %sign3A_268 = arith.extui %sign3A_267 : i1 to i32
          %sign3A_269 = arith.constant 0 : i32
          %sign3A_270 = arith.cmpi slt, %add3A_239, %sign3A_269 : i32
          %sign3A_271 = arith.extui %sign3A_270 : i1 to i32
          %sign3A_272 = arith.subi %sign3A_268, %sign3A_271 : i32
          %sign3A_273 = arith.constant 0 : i32
          %sign3A_274 = arith.cmpi sgt, %jit3A_264, %sign3A_273 : i32
          %sign3A_275 = arith.extui %sign3A_274 : i1 to i32
          %sign3A_276 = arith.constant 0 : i32
          %sign3A_277 = arith.cmpi slt, %jit3A_264, %sign3A_276 : i32
          %sign3A_278 = arith.extui %sign3A_277 : i1 to i32
          %sign3A_279 = arith.subi %sign3A_275, %sign3A_278 : i32
          %ne3A_280 = arith.cmpi ne, %sign3A_272, %sign3A_279 : i32
          %rem3A_281 = arith.remsi %add3A_239, %jit3A_264 : i32
          %ne3A_282 = arith.constant 0 : i32
          %ne3A_283 = arith.cmpi ne, %rem3A_281, %ne3A_282 : i32
          %and3A_284 = arith.andi %ne3A_280, %ne3A_283 : i1
          %sub3A_285 = arith.constant 1 : i32
          %sub3A_286 = arith.subi %div3A_265, %sub3A_285 : i32
          %select_n3A_287 = arith.select %and3A_284, %sub3A_286, %div3A_265 : i32
          %jit3A_288 = arith.constant 4 : i32
          %eq3A_289 = arith.constant 0 : i32
          %eq3A_290 = arith.cmpi eq, %jit3A_288, %eq3A_289 : i32
          %jit3A_291 = arith.constant 1 : i32
          %select_n3A_292 = arith.select %eq3A_290, %jit3A_291, %jit3A_288 : i32
          %rem3A_293 = arith.remsi %select_n3A_287, %select_n3A_292 : i32
          %ne3A_294 = arith.constant 0 : i32
          %ne3A_295 = arith.cmpi ne, %rem3A_293, %ne3A_294 : i32
          %lt3A_296 = arith.constant 0 : i32
          %lt3A_297 = arith.cmpi slt, %rem3A_293, %lt3A_296 : i32
          %lt3A_298 = arith.constant 0 : i32
          %lt3A_299 = arith.cmpi slt, %select_n3A_292, %lt3A_298 : i32
          %ne3A_300 = arith.xori %lt3A_297, %lt3A_299 : i1
          %and3A_301 = arith.andi %ne3A_300, %ne3A_295 : i1
          %add3A_302 = arith.addi %rem3A_293, %select_n3A_292 : i32
          %select_n3A_303 = arith.select %and3A_301, %add3A_302, %rem3A_293 : i32
          %mul3A_304 = arith.constant 13 : i32
          %mul3A_305 = arith.muli %arg0, %mul3A_304 : i32
          %add3A_306 = arith.addi %mul3A_305, %select_n3A_263 : i32
          %mul3A_307 = arith.constant 4 : i32
          %mul3A_308 = arith.muli %arg1, %mul3A_307 : i32
          %add3A_309 = arith.addi %mul3A_308, %select_n3A_303 : i32
          %dma_start3A_310 = arith.constant 50048 : i32
          %dma_start3A_311 = tpu.memref_slice %arg3[%add3A_306, %add3A_309, %dma_start3A_310] : memref<26x64x100000xf32, #tpu.memory_space<hbm>> -> memref<1x1x49952xf32, #tpu.memory_space<hbm>>
          %dma_start3A_312 = tpu.memref_squeeze %dma_start3A_311 : memref<1x1x49952xf32, #tpu.memory_space<hbm>> -> memref<49952xf32, #tpu.memory_space<hbm>>
          %dma_start3A_313 = arith.constant 50048 : i32
          %dma_start3A_314 = tpu.memref_slice %arg3[%add3A_306, %add3A_309, %dma_start3A_313] : memref<26x64x100000xf32, #tpu.memory_space<hbm>> -> memref<1x1x49952xf32, #tpu.memory_space<hbm>>
          %dma_start3A_315 = tpu.memref_squeeze %dma_start3A_314 : memref<1x1x49952xf32, #tpu.memory_space<hbm>> -> memref<49952xf32, #tpu.memory_space<hbm>>
          tpu.enqueue_dma source(%dma_start3A_315 : memref<49952xf32, #tpu.memory_space<hbm>>) target(%arg7 : memref<49952xf32, #tpu.memory_space<vmem>>) target_semaphore(%arg10 : memref<!tpu.dma_semaphore, #tpu.memory_space<semaphore_mem>>)
        } else {
        }
        %jit3A_152 = arith.constant 8 : i32
        %div3A_153 = arith.divsi %scan3A_40, %jit3A_152 : i32
        %sign3A_154 = arith.constant 0 : i32
        %sign3A_155 = arith.cmpi sgt, %scan3A_40, %sign3A_154 : i32
        %sign3A_156 = arith.extui %sign3A_155 : i1 to i32
        %sign3A_157 = arith.constant 0 : i32
        %sign3A_158 = arith.cmpi slt, %scan3A_40, %sign3A_157 : i32
        %sign3A_159 = arith.extui %sign3A_158 : i1 to i32
        %sign3A_160 = arith.subi %sign3A_156, %sign3A_159 : i32
        %sign3A_161 = arith.constant 0 : i32
        %sign3A_162 = arith.cmpi sgt, %jit3A_152, %sign3A_161 : i32
        %sign3A_163 = arith.extui %sign3A_162 : i1 to i32
        %sign3A_164 = arith.constant 0 : i32
        %sign3A_165 = arith.cmpi slt, %jit3A_152, %sign3A_164 : i32
        %sign3A_166 = arith.extui %sign3A_165 : i1 to i32
        %sign3A_167 = arith.subi %sign3A_163, %sign3A_166 : i32
        %ne3A_168 = arith.cmpi ne, %sign3A_160, %sign3A_167 : i32
        %rem3A_169 = arith.remsi %scan3A_40, %jit3A_152 : i32
        %ne3A_170 = arith.constant 0 : i32
        %ne3A_171 = arith.cmpi ne, %rem3A_169, %ne3A_170 : i32
        %and3A_172 = arith.andi %ne3A_168, %ne3A_171 : i1
        %sub3A_173 = arith.constant 1 : i32
        %sub3A_174 = arith.subi %div3A_153, %sub3A_173 : i32
        %select_n3A_175 = arith.select %and3A_172, %sub3A_174, %div3A_153 : i32
        %jit3A_176 = arith.constant 2 : i32
        %div3A_177 = arith.divsi %scan3A_40, %jit3A_176 : i32
        %sign3A_178 = arith.constant 0 : i32
        %sign3A_179 = arith.cmpi sgt, %scan3A_40, %sign3A_178 : i32
        %sign3A_180 = arith.extui %sign3A_179 : i1 to i32
        %sign3A_181 = arith.constant 0 : i32
        %sign3A_182 = arith.cmpi slt, %scan3A_40, %sign3A_181 : i32
        %sign3A_183 = arith.extui %sign3A_182 : i1 to i32
        %sign3A_184 = arith.subi %sign3A_180, %sign3A_183 : i32
        %sign3A_185 = arith.constant 0 : i32
        %sign3A_186 = arith.cmpi sgt, %jit3A_176, %sign3A_185 : i32
        %sign3A_187 = arith.extui %sign3A_186 : i1 to i32
        %sign3A_188 = arith.constant 0 : i32
        %sign3A_189 = arith.cmpi slt, %jit3A_176, %sign3A_188 : i32
        %sign3A_190 = arith.extui %sign3A_189 : i1 to i32
        %sign3A_191 = arith.subi %sign3A_187, %sign3A_190 : i32
        %ne3A_192 = arith.cmpi ne, %sign3A_184, %sign3A_191 : i32
        %rem3A_193 = arith.remsi %scan3A_40, %jit3A_176 : i32
        %ne3A_194 = arith.constant 0 : i32
        %ne3A_195 = arith.cmpi ne, %rem3A_193, %ne3A_194 : i32
        %and3A_196 = arith.andi %ne3A_192, %ne3A_195 : i1
        %sub3A_197 = arith.constant 1 : i32
        %sub3A_198 = arith.subi %div3A_177, %sub3A_197 : i32
        %select_n3A_199 = arith.select %and3A_196, %sub3A_198, %div3A_177 : i32
        %jit3A_200 = arith.constant 4 : i32
        %eq3A_201 = arith.constant 0 : i32
        %eq3A_202 = arith.cmpi eq, %jit3A_200, %eq3A_201 : i32
        %jit3A_203 = arith.constant 1 : i32
        %select_n3A_204 = arith.select %eq3A_202, %jit3A_203, %jit3A_200 : i32
        %rem3A_205 = arith.remsi %select_n3A_199, %select_n3A_204 : i32
        %ne3A_206 = arith.constant 0 : i32
        %ne3A_207 = arith.cmpi ne, %rem3A_205, %ne3A_206 : i32
        %lt3A_208 = arith.constant 0 : i32
        %lt3A_209 = arith.cmpi slt, %rem3A_205, %lt3A_208 : i32
        %lt3A_210 = arith.constant 0 : i32
        %lt3A_211 = arith.cmpi slt, %select_n3A_204, %lt3A_210 : i32
        %ne3A_212 = arith.xori %lt3A_209, %lt3A_211 : i1
        %and3A_213 = arith.andi %ne3A_212, %ne3A_207 : i1
        %add3A_214 = arith.addi %rem3A_205, %select_n3A_204 : i32
        %select_n3A_215 = arith.select %and3A_213, %add3A_214, %rem3A_205 : i32
        %mul3A_216 = arith.constant 13 : i32
        %mul3A_217 = arith.muli %arg0, %mul3A_216 : i32
        %add3A_218 = arith.addi %mul3A_217, %select_n3A_175 : i32
        %mul3A_219 = arith.constant 4 : i32
        %mul3A_220 = arith.muli %arg1, %mul3A_219 : i32
        %add3A_221 = arith.addi %mul3A_220, %select_n3A_215 : i32
        %dma_wait3A = arith.constant 0 : i32
        %dma_wait3A_222 = tpu.memref_slice %arg3[%add3A_218, %add3A_221, %dma_wait3A] : memref<26x64x100000xf32, #tpu.memory_space<hbm>> -> memref<1x1x50048xf32, #tpu.memory_space<hbm>>
        %dma_wait3A_223 = tpu.memref_squeeze %dma_wait3A_222 : memref<1x1x50048xf32, #tpu.memory_space<hbm>> -> memref<50048xf32, #tpu.memory_space<hbm>>
        %dma_wait3A_224 = arith.constant 0 : i32
        %dma_wait3A_225 = tpu.memref_slice %arg3[%add3A_218, %add3A_221, %dma_wait3A_224] : memref<26x64x100000xf32, #tpu.memory_space<hbm>> -> memref<1x1x50048xf32, #tpu.memory_space<hbm>>
        %dma_wait3A_226 = tpu.memref_squeeze %dma_wait3A_225 : memref<1x1x50048xf32, #tpu.memory_space<hbm>> -> memref<50048xf32, #tpu.memory_space<hbm>>
        tpu.wait_dma2 semaphore(%arg9 : memref<!tpu.dma_semaphore, #tpu.memory_space<semaphore_mem>>) src(%dma_wait3A_226 : memref<50048xf32, #tpu.memory_space<hbm>>) dst(%arg6 : memref<50048xf32, #tpu.memory_space<vmem>>)
        %mul3A_227 = arith.constant 4096 : i32
        %mul3A_228 = arith.muli %select_n3A_144, %mul3A_227 : i32
        %scan3A_229 = arith.constant 50048 : i32
        %scan3A_230 = arith.constant 0 : i32
        %scan3A_231 = arith.constant 0 : i32
        %scan3A_232 = arith.constant 0 : i32
        %scan3A_233 = arith.constant 32 : i32
        %scan3A_234 = arith.addi %scan3A_232, %scan3A_233 : i32
        %scan3A_235 = arith.constant 1 : i32
        %scan3A_236 = scf.for %scan3A_238 = %scan3A_232 to %scan3A_234 step %scan3A_235 iter_args(%scan3A_239 = %scan3A_231) -> (i32)  : i32 {
          %mul3A_240 = arith.constant 128 : i32
          %mul3A_241 = arith.muli %scan3A_238, %mul3A_240 : i32
          %add3A_242 = arith.constant 0 : i32
          %add3A_243 = arith.addi %mul3A_241, %add3A_242 : i32
          %get3A = arith.index_cast %add3A_243 : i32 to index
          %get3A_244 = tpu.vector_load %arg5[%get3A] {strides = array<i32>} : memref<4096xi32, #tpu.memory_space<vmem>>, vector<16xi32>,
          %add3A_245 = arith.addi %mul3A_228, %add3A_243 : i32
          %add3A_246 = vector.broadcast %add3A_245 : i32 to vector<16xi32>
          %add3A_247 = arith.addi %iota3A, %add3A_246 : vector<16xi32>
          %lt3A_248 = vector.broadcast %scan3A_229 : i32 to vector<16xi32>
          %lt3A_249 = arith.cmpi slt, %get3A_244, %lt3A_248 : vector<16xi32>
          %sub3A_250 = vector.broadcast %scan3A_230 : i32 to vector<16xi32>
          %sub3A_251 = arith.subi %get3A_244, %sub3A_250 : vector<16xi32>
          %jit3A_252 = arith.constant 0 : i32
          %broadcast_in_dim3A = vector.broadcast %jit3A_252 : i32 to vector<16xi32>
          %select_n3A_253 = arith.select %lt3A_249, %sub3A_251, %broadcast_in_dim3A : vector<16xi1>, vector<16xi32>
          %gather3A = tpu.vector_load_idx %arg6[%select_n3A_253] masked %lt3A_249 : memref<50048xf32, #tpu.memory_space<vmem>>[vector<16xi32>], vector<16xf32>, vector<16xi1>
          tpu.vector_store_idx %arg8[%add3A_247], %gather3A masked %lt3A_249 {add = true} : memref<16384xf32, #tpu.memory_space<vmem>>[vector<16xi32>], vector<16xf32>, vector<16xi1>
          %mul3A_254 = arith.constant 128 : i32
          %mul3A_255 = arith.muli %scan3A_238, %mul3A_254 : i32
          %add3A_256 = arith.constant 16 : i32
          %add3A_257 = arith.addi %mul3A_255, %add3A_256 : i32
          %get3A_258 = arith.index_cast %add3A_257 : i32 to index
          %get3A_259 = tpu.vector_load %arg5[%get3A_258] {strides = array<i32>} : memref<4096xi32, #tpu.memory_space<vmem>>, vector<16xi32>,
          %add3A_260 = arith.addi %mul3A_228, %add3A_257 : i32
          %add3A_261 = vector.broadcast %add3A_260 : i32 to vector<16xi32>
          %add3A_262 = arith.addi %iota3A, %add3A_261 : vector<16xi32>
          %lt3A_263 = vector.broadcast %scan3A_229 : i32 to vector<16xi32>
          %lt3A_264 = arith.cmpi slt, %get3A_259, %lt3A_263 : vector<16xi32>
          %sub3A_265 = vector.broadcast %scan3A_230 : i32 to vector<16xi32>
          %sub3A_266 = arith.subi %get3A_259, %sub3A_265 : vector<16xi32>
          %jit3A_267 = arith.constant 0 : i32
          %broadcast_in_dim3A_268 = vector.broadcast %jit3A_267 : i32 to vector<16xi32>
          %select_n3A_269 = arith.select %lt3A_264, %sub3A_266, %broadcast_in_dim3A_268 : vector<16xi1>, vector<16xi32>
          %gather3A_270 = tpu.vector_load_idx %arg6[%select_n3A_269] masked %lt3A_264 : memref<50048xf32, #tpu.memory_space<vmem>>[vector<16xi32>], vector<16xf32>, vector<16xi1>
          tpu.vector_store_idx %arg8[%add3A_262], %gather3A_270 masked %lt3A_264 {add = true} : memref<16384xf32, #tpu.memory_space<vmem>>[vector<16xi32>], vector<16xf32>, vector<16xi1>
          %mul3A_271 = arith.constant 128 : i32
          %mul3A_272 = arith.muli %scan3A_238, %mul3A_271 : i32
          %add3A_273 = arith.constant 32 : i32
          %add3A_274 = arith.addi %mul3A_272, %add3A_273 : i32
          %get3A_275 = arith.index_cast %add3A_274 : i32 to index
          %get3A_276 = tpu.vector_load %arg5[%get3A_275] {strides = array<i32>} : memref<4096xi32, #tpu.memory_space<vmem>>, vector<16xi32>,
          %add3A_277 = arith.addi %mul3A_228, %add3A_274 : i32
          %add3A_278 = vector.broadcast %add3A_277 : i32 to vector<16xi32>
          %add3A_279 = arith.addi %iota3A, %add3A_278 : vector<16xi32>
          %lt3A_280 = vector.broadcast %scan3A_229 : i32 to vector<16xi32>
          %lt3A_281 = arith.cmpi slt, %get3A_276, %lt3A_280 : vector<16xi32>
          %sub3A_282 = vector.broadcast %scan3A_230 : i32 to vector<16xi32>
          %sub3A_283 = arith.subi %get3A_276, %sub3A_282 : vector<16xi32>
          %jit3A_284 = arith.constant 0 : i32
          %broadcast_in_dim3A_285 = vector.broadcast %jit3A_284 : i32 to vector<16xi32>
          %select_n3A_286 = arith.select %lt3A_281, %sub3A_283, %broadcast_in_dim3A_285 : vector<16xi1>, vector<16xi32>
          %gather3A_287 = tpu.vector_load_idx %arg6[%select_n3A_286] masked %lt3A_281 : memref<50048xf32, #tpu.memory_space<vmem>>[vector<16xi32>], vector<16xf32>, vector<16xi1>
          tpu.vector_store_idx %arg8[%add3A_279], %gather3A_287 masked %lt3A_281 {add = true} : memref<16384xf32, #tpu.memory_space<vmem>>[vector<16xi32>], vector<16xf32>, vector<16xi1>
          %mul3A_288 = arith.constant 128 : i32
          %mul3A_289 = arith.muli %scan3A_238, %mul3A_288 : i32
          %add3A_290 = arith.constant 48 : i32
          %add3A_291 = arith.addi %mul3A_289, %add3A_290 : i32
          %get3A_292 = arith.index_cast %add3A_291 : i32 to index
          %get3A_293 = tpu.vector_load %arg5[%get3A_292] {strides = array<i32>} : memref<4096xi32, #tpu.memory_space<vmem>>, vector<16xi32>,
          %add3A_294 = arith.addi %mul3A_228, %add3A_291 : i32
          %add3A_295 = vector.broadcast %add3A_294 : i32 to vector<16xi32>
          %add3A_296 = arith.addi %iota3A, %add3A_295 : vector<16xi32>
          %lt3A_297 = vector.broadcast %scan3A_229 : i32 to vector<16xi32>
          %lt3A_298 = arith.cmpi slt, %get3A_293, %lt3A_297 : vector<16xi32>
          %sub3A_299 = vector.broadcast %scan3A_230 : i32 to vector<16xi32>
          %sub3A_300 = arith.subi %get3A_293, %sub3A_299 : vector<16xi32>
          %jit3A_301 = arith.constant 0 : i32
          %broadcast_in_dim3A_302 = vector.broadcast %jit3A_301 : i32 to vector<16xi32>
          %select_n3A_303 = arith.select %lt3A_298, %sub3A_300, %broadcast_in_dim3A_302 : vector<16xi1>, vector<16xi32>
          %gather3A_304 = tpu.vector_load_idx %arg6[%select_n3A_303] masked %lt3A_298 : memref<50048xf32, #tpu.memory_space<vmem>>[vector<16xi32>], vector<16xf32>, vector<16xi1>
          tpu.vector_store_idx %arg8[%add3A_296], %gather3A_304 masked %lt3A_298 {add = true} : memref<16384xf32, #tpu.memory_space<vmem>>[vector<16xi32>], vector<16xf32>, vector<16xi1>
          %mul3A_305 = arith.constant 128 : i32
          %mul3A_306 = arith.muli %scan3A_238, %mul3A_305 : i32
          %add3A_307 = arith.constant 64 : i32
          %add3A_308 = arith.addi %mul3A_306, %add3A_307 : i32
          %get3A_309 = arith.index_cast %add3A_308 : i32 to index
          %get3A_310 = tpu.vector_load %arg5[%get3A_309] {strides = array<i32>} : memref<4096xi32, #tpu.memory_space<vmem>>, vector<16xi32>,
          %add3A_311 = arith.addi %mul3A_228, %add3A_308 : i32
          %add3A_312 = vector.broadcast %add3A_311 : i32 to vector<16xi32>
          %add3A_313 = arith.addi %iota3A, %add3A_312 : vector<16xi32>
          %lt3A_314 = vector.broadcast %scan3A_229 : i32 to vector<16xi32>
          %lt3A_315 = arith.cmpi slt, %get3A_310, %lt3A_314 : vector<16xi32>
          %sub3A_316 = vector.broadcast %scan3A_230 : i32 to vector<16xi32>
          %sub3A_317 = arith.subi %get3A_310, %sub3A_316 : vector<16xi32>
          %jit3A_318 = arith.constant 0 : i32
          %broadcast_in_dim3A_319 = vector.broadcast %jit3A_318 : i32 to vector<16xi32>
          %select_n3A_320 = arith.select %lt3A_315, %sub3A_317, %broadcast_in_dim3A_319 : vector<16xi1>, vector<16xi32>
          %gather3A_321 = tpu.vector_load_idx %arg6[%select_n3A_320] masked %lt3A_315 : memref<50048xf32, #tpu.memory_space<vmem>>[vector<16xi32>], vector<16xf32>, vector<16xi1>
          tpu.vector_store_idx %arg8[%add3A_313], %gather3A_321 masked %lt3A_315 {add = true} : memref<16384xf32, #tpu.memory_space<vmem>>[vector<16xi32>], vector<16xf32>, vector<16xi1>
          %mul3A_322 = arith.constant 128 : i32
          %mul3A_323 = arith.muli %scan3A_238, %mul3A_322 : i32
          %add3A_324 = arith.constant 80 : i32
          %add3A_325 = arith.addi %mul3A_323, %add3A_324 : i32
          %get3A_326 = arith.index_cast %add3A_325 : i32 to index
          %get3A_327 = tpu.vector_load %arg5[%get3A_326] {strides = array<i32>} : memref<4096xi32, #tpu.memory_space<vmem>>, vector<16xi32>,
          %add3A_328 = arith.addi %mul3A_228, %add3A_325 : i32
          %add3A_329 = vector.broadcast %add3A_328 : i32 to vector<16xi32>
          %add3A_330 = arith.addi %iota3A, %add3A_329 : vector<16xi32>
          %lt3A_331 = vector.broadcast %scan3A_229 : i32 to vector<16xi32>
          %lt3A_332 = arith.cmpi slt, %get3A_327, %lt3A_331 : vector<16xi32>
          %sub3A_333 = vector.broadcast %scan3A_230 : i32 to vector<16xi32>
          %sub3A_334 = arith.subi %get3A_327, %sub3A_333 : vector<16xi32>
          %jit3A_335 = arith.constant 0 : i32
          %broadcast_in_dim3A_336 = vector.broadcast %jit3A_335 : i32 to vector<16xi32>
          %select_n3A_337 = arith.select %lt3A_332, %sub3A_334, %broadcast_in_dim3A_336 : vector<16xi1>, vector<16xi32>
          %gather3A_338 = tpu.vector_load_idx %arg6[%select_n3A_337] masked %lt3A_332 : memref<50048xf32, #tpu.memory_space<vmem>>[vector<16xi32>], vector<16xf32>, vector<16xi1>
          tpu.vector_store_idx %arg8[%add3A_330], %gather3A_338 masked %lt3A_332 {add = true} : memref<16384xf32, #tpu.memory_space<vmem>>[vector<16xi32>], vector<16xf32>, vector<16xi1>
          %mul3A_339 = arith.constant 128 : i32
          %mul3A_340 = arith.muli %scan3A_238, %mul3A_339 : i32
          %add3A_341 = arith.constant 96 : i32
          %add3A_342 = arith.addi %mul3A_340, %add3A_341 : i32
          %get3A_343 = arith.index_cast %add3A_342 : i32 to index
          %get3A_344 = tpu.vector_load %arg5[%get3A_343] {strides = array<i32>} : memref<4096xi32, #tpu.memory_space<vmem>>, vector<16xi32>,
          %add3A_345 = arith.addi %mul3A_228, %add3A_342 : i32
          %add3A_346 = vector.broadcast %add3A_345 : i32 to vector<16xi32>
          %add3A_347 = arith.addi %iota3A, %add3A_346 : vector<16xi32>
          %lt3A_348 = vector.broadcast %scan3A_229 : i32 to vector<16xi32>
          %lt3A_349 = arith.cmpi slt, %get3A_344, %lt3A_348 : vector<16xi32>
          %sub3A_350 = vector.broadcast %scan3A_230 : i32 to vector<16xi32>
          %sub3A_351 = arith.subi %get3A_344, %sub3A_350 : vector<16xi32>
          %jit3A_352 = arith.constant 0 : i32
          %broadcast_in_dim3A_353 = vector.broadcast %jit3A_352 : i32 to vector<16xi32>
          %select_n3A_354 = arith.select %lt3A_349, %sub3A_351, %broadcast_in_dim3A_353 : vector<16xi1>, vector<16xi32>
          %gather3A_355 = tpu.vector_load_idx %arg6[%select_n3A_354] masked %lt3A_349 : memref<50048xf32, #tpu.memory_space<vmem>>[vector<16xi32>], vector<16xf32>, vector<16xi1>
          tpu.vector_store_idx %arg8[%add3A_347], %gather3A_355 masked %lt3A_349 {add = true} : memref<16384xf32, #tpu.memory_space<vmem>>[vector<16xi32>], vector<16xf32>, vector<16xi1>
          %mul3A_356 = arith.constant 128 : i32
          %mul3A_357 = arith.muli %scan3A_238, %mul3A_356 : i32
          %add3A_358 = arith.constant 112 : i32
          %add3A_359 = arith.addi %mul3A_357, %add3A_358 : i32
          %get3A_360 = arith.index_cast %add3A_359 : i32 to index
          %get3A_361 = tpu.vector_load %arg5[%get3A_360] {strides = array<i32>} : memref<4096xi32, #tpu.memory_space<vmem>>, vector<16xi32>,
          %add3A_362 = arith.addi %mul3A_228, %add3A_359 : i32
          %add3A_363 = vector.broadcast %add3A_362 : i32 to vector<16xi32>
          %add3A_364 = arith.addi %iota3A, %add3A_363 : vector<16xi32>
          %lt3A_365 = vector.broadcast %scan3A_229 : i32 to vector<16xi32>
          %lt3A_366 = arith.cmpi slt, %get3A_361, %lt3A_365 : vector<16xi32>
          %sub3A_367 = vector.broadcast %scan3A_230 : i32 to vector<16xi32>
          %sub3A_368 = arith.subi %get3A_361, %sub3A_367 : vector<16xi32>
          %jit3A_369 = arith.constant 0 : i32
          %broadcast_in_dim3A_370 = vector.broadcast %jit3A_369 : i32 to vector<16xi32>
          %select_n3A_371 = arith.select %lt3A_366, %sub3A_368, %broadcast_in_dim3A_370 : vector<16xi1>, vector<16xi32>
          %gather3A_372 = tpu.vector_load_idx %arg6[%select_n3A_371] masked %lt3A_366 : memref<50048xf32, #tpu.memory_space<vmem>>[vector<16xi32>], vector<16xf32>, vector<16xi1>
          tpu.vector_store_idx %arg8[%add3A_364], %gather3A_372 masked %lt3A_366 {add = true} : memref<16384xf32, #tpu.memory_space<vmem>>[vector<16xi32>], vector<16xf32>, vector<16xi1>
          %scan3A_373 = arith.constant 0 : i32
          scf.yield %scan3A_373 : i32
        }
        %scan3A_237 = arith.constant 32 : i32
      } else {
      }
      %eq3A_99 = arith.constant 1 : i32
      %eq3A_100 = arith.cmpi eq, %select_n3A_71, %eq3A_99 : i32
      %convert_element_type3A_101 = arith.extui %eq3A_100 : i1 to i32
      %cond3A_102 = arith.constant 0 : i32
      %cond3A_103 = arith.cmpi ne, %convert_element_type3A_101, %cond3A_102 : i32
      scf.if %cond3A_103 {
        %jit3A_105 = arith.constant 2 : i32
        %div3A_106 = arith.divsi %scan3A_40, %jit3A_105 : i32
        %sign3A_107 = arith.constant 0 : i32
        %sign3A_108 = arith.cmpi sgt, %scan3A_40, %sign3A_107 : i32
        %sign3A_109 = arith.extui %sign3A_108 : i1 to i32
        %sign3A_110 = arith.constant 0 : i32
        %sign3A_111 = arith.cmpi slt, %scan3A_40, %sign3A_110 : i32
        %sign3A_112 = arith.extui %sign3A_111 : i1 to i32
        %sign3A_113 = arith.subi %sign3A_109, %sign3A_112 : i32
        %sign3A_114 = arith.constant 0 : i32
        %sign3A_115 = arith.cmpi sgt, %jit3A_105, %sign3A_114 : i32
        %sign3A_116 = arith.extui %sign3A_115 : i1 to i32
        %sign3A_117 = arith.constant 0 : i32
        %sign3A_118 = arith.cmpi slt, %jit3A_105, %sign3A_117 : i32
        %sign3A_119 = arith.extui %sign3A_118 : i1 to i32
        %sign3A_120 = arith.subi %sign3A_116, %sign3A_119 : i32
        %ne3A_121 = arith.cmpi ne, %sign3A_113, %sign3A_120 : i32
        %rem3A_122 = arith.remsi %scan3A_40, %jit3A_105 : i32
        %ne3A_123 = arith.constant 0 : i32
        %ne3A_124 = arith.cmpi ne, %rem3A_122, %ne3A_123 : i32
        %and3A_125 = arith.andi %ne3A_121, %ne3A_124 : i1
        %sub3A_126 = arith.constant 1 : i32
        %sub3A_127 = arith.subi %div3A_106, %sub3A_126 : i32
        %select_n3A_128 = arith.select %and3A_125, %sub3A_127, %div3A_106 : i32
        %jit3A_129 = arith.constant 4 : i32
        %eq3A_130 = arith.constant 0 : i32
        %eq3A_131 = arith.cmpi eq, %jit3A_129, %eq3A_130 : i32
        %jit3A_132 = arith.constant 1 : i32
        %select_n3A_133 = arith.select %eq3A_131, %jit3A_132, %jit3A_129 : i32
        %rem3A_134 = arith.remsi %select_n3A_128, %select_n3A_133 : i32
        %ne3A_135 = arith.constant 0 : i32
        %ne3A_136 = arith.cmpi ne, %rem3A_134, %ne3A_135 : i32
        %lt3A_137 = arith.constant 0 : i32
        %lt3A_138 = arith.cmpi slt, %rem3A_134, %lt3A_137 : i32
        %lt3A_139 = arith.constant 0 : i32
        %lt3A_140 = arith.cmpi slt, %select_n3A_133, %lt3A_139 : i32
        %ne3A_141 = arith.xori %lt3A_138, %lt3A_140 : i1
        %and3A_142 = arith.andi %ne3A_141, %ne3A_136 : i1
        %add3A_143 = arith.addi %rem3A_134, %select_n3A_133 : i32
        %select_n3A_144 = arith.select %and3A_142, %add3A_143, %rem3A_134 : i32
        %add3A_145 = arith.constant 1 : i32
        %add3A_146 = arith.addi %scan3A_40, %add3A_145 : i32
        %lt3A_147 = arith.constant 104 : i32
        %lt3A_148 = arith.cmpi slt, %add3A_146, %lt3A_147 : i32
        %convert_element_type3A_149 = arith.extui %lt3A_148 : i1 to i32
        %cond3A_150 = arith.constant 0 : i32
        %cond3A_151 = arith.cmpi ne, %convert_element_type3A_149, %cond3A_150 : i32
        scf.if %cond3A_151 {
          %add3A_237 = arith.constant 1 : i32
          %add3A_238 = arith.addi %scan3A_40, %add3A_237 : i32
          %jit3A_239 = arith.constant 8 : i32
          %div3A_240 = arith.divsi %add3A_238, %jit3A_239 : i32
          %sign3A_241 = arith.constant 0 : i32
          %sign3A_242 = arith.cmpi sgt, %add3A_238, %sign3A_241 : i32
          %sign3A_243 = arith.extui %sign3A_242 : i1 to i32
          %sign3A_244 = arith.constant 0 : i32
          %sign3A_245 = arith.cmpi slt, %add3A_238, %sign3A_244 : i32
          %sign3A_246 = arith.extui %sign3A_245 : i1 to i32
          %sign3A_247 = arith.subi %sign3A_243, %sign3A_246 : i32
          %sign3A_248 = arith.constant 0 : i32
          %sign3A_249 = arith.cmpi sgt, %jit3A_239, %sign3A_248 : i32
          %sign3A_250 = arith.extui %sign3A_249 : i1 to i32
          %sign3A_251 = arith.constant 0 : i32
          %sign3A_252 = arith.cmpi slt, %jit3A_239, %sign3A_251 : i32
          %sign3A_253 = arith.extui %sign3A_252 : i1 to i32
          %sign3A_254 = arith.subi %sign3A_250, %sign3A_253 : i32
          %ne3A_255 = arith.cmpi ne, %sign3A_247, %sign3A_254 : i32
          %rem3A_256 = arith.remsi %add3A_238, %jit3A_239 : i32
          %ne3A_257 = arith.constant 0 : i32
          %ne3A_258 = arith.cmpi ne, %rem3A_256, %ne3A_257 : i32
          %and3A_259 = arith.andi %ne3A_255, %ne3A_258 : i1
          %sub3A_260 = arith.constant 1 : i32
          %sub3A_261 = arith.subi %div3A_240, %sub3A_260 : i32
          %select_n3A_262 = arith.select %and3A_259, %sub3A_261, %div3A_240 : i32
          %jit3A_263 = arith.constant 2 : i32
          %div3A_264 = arith.divsi %add3A_238, %jit3A_263 : i32
          %sign3A_265 = arith.constant 0 : i32
          %sign3A_266 = arith.cmpi sgt, %add3A_238, %sign3A_265 : i32
          %sign3A_267 = arith.extui %sign3A_266 : i1 to i32
          %sign3A_268 = arith.constant 0 : i32
          %sign3A_269 = arith.cmpi slt, %add3A_238, %sign3A_268 : i32
          %sign3A_270 = arith.extui %sign3A_269 : i1 to i32
          %sign3A_271 = arith.subi %sign3A_267, %sign3A_270 : i32
          %sign3A_272 = arith.constant 0 : i32
          %sign3A_273 = arith.cmpi sgt, %jit3A_263, %sign3A_272 : i32
          %sign3A_274 = arith.extui %sign3A_273 : i1 to i32
          %sign3A_275 = arith.constant 0 : i32
          %sign3A_276 = arith.cmpi slt, %jit3A_263, %sign3A_275 : i32
          %sign3A_277 = arith.extui %sign3A_276 : i1 to i32
          %sign3A_278 = arith.subi %sign3A_274, %sign3A_277 : i32
          %ne3A_279 = arith.cmpi ne, %sign3A_271, %sign3A_278 : i32
          %rem3A_280 = arith.remsi %add3A_238, %jit3A_263 : i32
          %ne3A_281 = arith.constant 0 : i32
          %ne3A_282 = arith.cmpi ne, %rem3A_280, %ne3A_281 : i32
          %and3A_283 = arith.andi %ne3A_279, %ne3A_282 : i1
          %sub3A_284 = arith.constant 1 : i32
          %sub3A_285 = arith.subi %div3A_264, %sub3A_284 : i32
          %select_n3A_286 = arith.select %and3A_283, %sub3A_285, %div3A_264 : i32
          %jit3A_287 = arith.constant 4 : i32
          %eq3A_288 = arith.constant 0 : i32
          %eq3A_289 = arith.cmpi eq, %jit3A_287, %eq3A_288 : i32
          %jit3A_290 = arith.constant 1 : i32
          %select_n3A_291 = arith.select %eq3A_289, %jit3A_290, %jit3A_287 : i32
          %rem3A_292 = arith.remsi %select_n3A_286, %select_n3A_291 : i32
          %ne3A_293 = arith.constant 0 : i32
          %ne3A_294 = arith.cmpi ne, %rem3A_292, %ne3A_293 : i32
          %lt3A_295 = arith.constant 0 : i32
          %lt3A_296 = arith.cmpi slt, %rem3A_292, %lt3A_295 : i32
          %lt3A_297 = arith.constant 0 : i32
          %lt3A_298 = arith.cmpi slt, %select_n3A_291, %lt3A_297 : i32
          %ne3A_299 = arith.xori %lt3A_296, %lt3A_298 : i1
          %and3A_300 = arith.andi %ne3A_299, %ne3A_294 : i1
          %add3A_301 = arith.addi %rem3A_292, %select_n3A_291 : i32
          %select_n3A_302 = arith.select %and3A_300, %add3A_301, %rem3A_292 : i32
          %mul3A_303 = arith.constant 13 : i32
          %mul3A_304 = arith.muli %arg0, %mul3A_303 : i32
          %add3A_305 = arith.addi %mul3A_304, %select_n3A_262 : i32
          %mul3A_306 = arith.constant 4 : i32
          %mul3A_307 = arith.muli %arg1, %mul3A_306 : i32
          %add3A_308 = arith.addi %mul3A_307, %select_n3A_302 : i32
          %dma_start3A_309 = arith.constant 0 : i32
          %dma_start3A_310 = tpu.memref_slice %arg3[%add3A_305, %add3A_308, %dma_start3A_309] : memref<26x64x100000xf32, #tpu.memory_space<hbm>> -> memref<1x1x50048xf32, #tpu.memory_space<hbm>>
          %dma_start3A_311 = tpu.memref_squeeze %dma_start3A_310 : memref<1x1x50048xf32, #tpu.memory_space<hbm>> -> memref<50048xf32, #tpu.memory_space<hbm>>
          %dma_start3A_312 = arith.constant 0 : i32
          %dma_start3A_313 = tpu.memref_slice %arg3[%add3A_305, %add3A_308, %dma_start3A_312] : memref<26x64x100000xf32, #tpu.memory_space<hbm>> -> memref<1x1x50048xf32, #tpu.memory_space<hbm>>
          %dma_start3A_314 = tpu.memref_squeeze %dma_start3A_313 : memref<1x1x50048xf32, #tpu.memory_space<hbm>> -> memref<50048xf32, #tpu.memory_space<hbm>>
          tpu.enqueue_dma source(%dma_start3A_314 : memref<50048xf32, #tpu.memory_space<hbm>>) target(%arg6 : memref<50048xf32, #tpu.memory_space<vmem>>) target_semaphore(%arg9 : memref<!tpu.dma_semaphore, #tpu.memory_space<semaphore_mem>>)
        } else {
        }
        %jit3A_152 = arith.constant 8 : i32
        %div3A_153 = arith.divsi %scan3A_40, %jit3A_152 : i32
        %sign3A_154 = arith.constant 0 : i32
        %sign3A_155 = arith.cmpi sgt, %scan3A_40, %sign3A_154 : i32
        %sign3A_156 = arith.extui %sign3A_155 : i1 to i32
        %sign3A_157 = arith.constant 0 : i32
        %sign3A_158 = arith.cmpi slt, %scan3A_40, %sign3A_157 : i32
        %sign3A_159 = arith.extui %sign3A_158 : i1 to i32
        %sign3A_160 = arith.subi %sign3A_156, %sign3A_159 : i32
        %sign3A_161 = arith.constant 0 : i32
        %sign3A_162 = arith.cmpi sgt, %jit3A_152, %sign3A_161 : i32
        %sign3A_163 = arith.extui %sign3A_162 : i1 to i32
        %sign3A_164 = arith.constant 0 : i32
        %sign3A_165 = arith.cmpi slt, %jit3A_152, %sign3A_164 : i32
        %sign3A_166 = arith.extui %sign3A_165 : i1 to i32
        %sign3A_167 = arith.subi %sign3A_163, %sign3A_166 : i32
        %ne3A_168 = arith.cmpi ne, %sign3A_160, %sign3A_167 : i32
        %rem3A_169 = arith.remsi %scan3A_40, %jit3A_152 : i32
        %ne3A_170 = arith.constant 0 : i32
        %ne3A_171 = arith.cmpi ne, %rem3A_169, %ne3A_170 : i32
        %and3A_172 = arith.andi %ne3A_168, %ne3A_171 : i1
        %sub3A_173 = arith.constant 1 : i32
        %sub3A_174 = arith.subi %div3A_153, %sub3A_173 : i32
        %select_n3A_175 = arith.select %and3A_172, %sub3A_174, %div3A_153 : i32
        %jit3A_176 = arith.constant 2 : i32
        %div3A_177 = arith.divsi %scan3A_40, %jit3A_176 : i32
        %sign3A_178 = arith.constant 0 : i32
        %sign3A_179 = arith.cmpi sgt, %scan3A_40, %sign3A_178 : i32
        %sign3A_180 = arith.extui %sign3A_179 : i1 to i32
        %sign3A_181 = arith.constant 0 : i32
        %sign3A_182 = arith.cmpi slt, %scan3A_40, %sign3A_181 : i32
        %sign3A_183 = arith.extui %sign3A_182 : i1 to i32
        %sign3A_184 = arith.subi %sign3A_180, %sign3A_183 : i32
        %sign3A_185 = arith.constant 0 : i32
        %sign3A_186 = arith.cmpi sgt, %jit3A_176, %sign3A_185 : i32
        %sign3A_187 = arith.extui %sign3A_186 : i1 to i32
        %sign3A_188 = arith.constant 0 : i32
        %sign3A_189 = arith.cmpi slt, %jit3A_176, %sign3A_188 : i32
        %sign3A_190 = arith.extui %sign3A_189 : i1 to i32
        %sign3A_191 = arith.subi %sign3A_187, %sign3A_190 : i32
        %ne3A_192 = arith.cmpi ne, %sign3A_184, %sign3A_191 : i32
        %rem3A_193 = arith.remsi %scan3A_40, %jit3A_176 : i32
        %ne3A_194 = arith.constant 0 : i32
        %ne3A_195 = arith.cmpi ne, %rem3A_193, %ne3A_194 : i32
        %and3A_196 = arith.andi %ne3A_192, %ne3A_195 : i1
        %sub3A_197 = arith.constant 1 : i32
        %sub3A_198 = arith.subi %div3A_177, %sub3A_197 : i32
        %select_n3A_199 = arith.select %and3A_196, %sub3A_198, %div3A_177 : i32
        %jit3A_200 = arith.constant 4 : i32
        %eq3A_201 = arith.constant 0 : i32
        %eq3A_202 = arith.cmpi eq, %jit3A_200, %eq3A_201 : i32
        %jit3A_203 = arith.constant 1 : i32
        %select_n3A_204 = arith.select %eq3A_202, %jit3A_203, %jit3A_200 : i32
        %rem3A_205 = arith.remsi %select_n3A_199, %select_n3A_204 : i32
        %ne3A_206 = arith.constant 0 : i32
        %ne3A_207 = arith.cmpi ne, %rem3A_205, %ne3A_206 : i32
        %lt3A_208 = arith.constant 0 : i32
        %lt3A_209 = arith.cmpi slt, %rem3A_205, %lt3A_208 : i32
        %lt3A_210 = arith.constant 0 : i32
        %lt3A_211 = arith.cmpi slt, %select_n3A_204, %lt3A_210 : i32
        %ne3A_212 = arith.xori %lt3A_209, %lt3A_211 : i1
        %and3A_213 = arith.andi %ne3A_212, %ne3A_207 : i1
        %add3A_214 = arith.addi %rem3A_205, %select_n3A_204 : i32
        %select_n3A_215 = arith.select %and3A_213, %add3A_214, %rem3A_205 : i32
        %mul3A_216 = arith.constant 13 : i32
        %mul3A_217 = arith.muli %arg0, %mul3A_216 : i32
        %add3A_218 = arith.addi %mul3A_217, %select_n3A_175 : i32
        %mul3A_219 = arith.constant 4 : i32
        %mul3A_220 = arith.muli %arg1, %mul3A_219 : i32
        %add3A_221 = arith.addi %mul3A_220, %select_n3A_215 : i32
        %dma_wait3A = arith.constant 50048 : i32
        %dma_wait3A_222 = tpu.memref_slice %arg3[%add3A_218, %add3A_221, %dma_wait3A] : memref<26x64x100000xf32, #tpu.memory_space<hbm>> -> memref<1x1x49952xf32, #tpu.memory_space<hbm>>
        %dma_wait3A_223 = tpu.memref_squeeze %dma_wait3A_222 : memref<1x1x49952xf32, #tpu.memory_space<hbm>> -> memref<49952xf32, #tpu.memory_space<hbm>>
        %dma_wait3A_224 = arith.constant 50048 : i32
        %dma_wait3A_225 = tpu.memref_slice %arg3[%add3A_218, %add3A_221, %dma_wait3A_224] : memref<26x64x100000xf32, #tpu.memory_space<hbm>> -> memref<1x1x49952xf32, #tpu.memory_space<hbm>>
        %dma_wait3A_226 = tpu.memref_squeeze %dma_wait3A_225 : memref<1x1x49952xf32, #tpu.memory_space<hbm>> -> memref<49952xf32, #tpu.memory_space<hbm>>
        tpu.wait_dma2 semaphore(%arg10 : memref<!tpu.dma_semaphore, #tpu.memory_space<semaphore_mem>>) src(%dma_wait3A_226 : memref<49952xf32, #tpu.memory_space<hbm>>) dst(%arg7 : memref<49952xf32, #tpu.memory_space<vmem>>)
        %mul3A_227 = arith.constant 4096 : i32
        %mul3A_228 = arith.muli %select_n3A_144, %mul3A_227 : i32
        %scan3A_229 = arith.constant 50048 : i32
        %scan3A_230 = arith.constant 0 : i32
        %scan3A_231 = arith.constant 0 : i32
        %scan3A_232 = arith.constant 32 : i32
        %scan3A_233 = arith.addi %scan3A_231, %scan3A_232 : i32
        %scan3A_234 = arith.constant 1 : i32
        %scan3A_235 = scf.for %scan3A_237 = %scan3A_231 to %scan3A_233 step %scan3A_234 iter_args(%scan3A_238 = %scan3A_230) -> (i32)  : i32 {
          %mul3A_239 = arith.constant 128 : i32
          %mul3A_240 = arith.muli %scan3A_237, %mul3A_239 : i32
          %add3A_241 = arith.constant 0 : i32
          %add3A_242 = arith.addi %mul3A_240, %add3A_241 : i32
          %get3A = arith.index_cast %add3A_242 : i32 to index
          %get3A_243 = tpu.vector_load %arg5[%get3A] {strides = array<i32>} : memref<4096xi32, #tpu.memory_space<vmem>>, vector<16xi32>,
          %add3A_244 = arith.addi %mul3A_228, %add3A_242 : i32
          %add3A_245 = vector.broadcast %add3A_244 : i32 to vector<16xi32>
          %add3A_246 = arith.addi %iota3A, %add3A_245 : vector<16xi32>
          %ge3A = vector.broadcast %scan3A_229 : i32 to vector<16xi32>
          %ge3A_247 = arith.cmpi sge, %get3A_243, %ge3A : vector<16xi32>
          %sub3A_248 = vector.broadcast %scan3A_229 : i32 to vector<16xi32>
          %sub3A_249 = arith.subi %get3A_243, %sub3A_248 : vector<16xi32>
          %jit3A_250 = arith.constant 0 : i32
          %broadcast_in_dim3A = vector.broadcast %jit3A_250 : i32 to vector<16xi32>
          %select_n3A_251 = arith.select %ge3A_247, %sub3A_249, %broadcast_in_dim3A : vector<16xi1>, vector<16xi32>
          %gather3A = tpu.vector_load_idx %arg7[%select_n3A_251] masked %ge3A_247 : memref<49952xf32, #tpu.memory_space<vmem>>[vector<16xi32>], vector<16xf32>, vector<16xi1>
          tpu.vector_store_idx %arg8[%add3A_246], %gather3A masked %ge3A_247 {add = true} : memref<16384xf32, #tpu.memory_space<vmem>>[vector<16xi32>], vector<16xf32>, vector<16xi1>
          %mul3A_252 = arith.constant 128 : i32
          %mul3A_253 = arith.muli %scan3A_237, %mul3A_252 : i32
          %add3A_254 = arith.constant 16 : i32
          %add3A_255 = arith.addi %mul3A_253, %add3A_254 : i32
          %get3A_256 = arith.index_cast %add3A_255 : i32 to index
          %get3A_257 = tpu.vector_load %arg5[%get3A_256] {strides = array<i32>} : memref<4096xi32, #tpu.memory_space<vmem>>, vector<16xi32>,
          %add3A_258 = arith.addi %mul3A_228, %add3A_255 : i32
          %add3A_259 = vector.broadcast %add3A_258 : i32 to vector<16xi32>
          %add3A_260 = arith.addi %iota3A, %add3A_259 : vector<16xi32>
          %ge3A_261 = vector.broadcast %scan3A_229 : i32 to vector<16xi32>
          %ge3A_262 = arith.cmpi sge, %get3A_257, %ge3A_261 : vector<16xi32>
          %sub3A_263 = vector.broadcast %scan3A_229 : i32 to vector<16xi32>
          %sub3A_264 = arith.subi %get3A_257, %sub3A_263 : vector<16xi32>
          %jit3A_265 = arith.constant 0 : i32
          %broadcast_in_dim3A_266 = vector.broadcast %jit3A_265 : i32 to vector<16xi32>
          %select_n3A_267 = arith.select %ge3A_262, %sub3A_264, %broadcast_in_dim3A_266 : vector<16xi1>, vector<16xi32>
          %gather3A_268 = tpu.vector_load_idx %arg7[%select_n3A_267] masked %ge3A_262 : memref<49952xf32, #tpu.memory_space<vmem>>[vector<16xi32>], vector<16xf32>, vector<16xi1>
          tpu.vector_store_idx %arg8[%add3A_260], %gather3A_268 masked %ge3A_262 {add = true} : memref<16384xf32, #tpu.memory_space<vmem>>[vector<16xi32>], vector<16xf32>, vector<16xi1>
          %mul3A_269 = arith.constant 128 : i32
          %mul3A_270 = arith.muli %scan3A_237, %mul3A_269 : i32
          %add3A_271 = arith.constant 32 : i32
          %add3A_272 = arith.addi %mul3A_270, %add3A_271 : i32
          %get3A_273 = arith.index_cast %add3A_272 : i32 to index
          %get3A_274 = tpu.vector_load %arg5[%get3A_273] {strides = array<i32>} : memref<4096xi32, #tpu.memory_space<vmem>>, vector<16xi32>,
          %add3A_275 = arith.addi %mul3A_228, %add3A_272 : i32
          %add3A_276 = vector.broadcast %add3A_275 : i32 to vector<16xi32>
          %add3A_277 = arith.addi %iota3A, %add3A_276 : vector<16xi32>
          %ge3A_278 = vector.broadcast %scan3A_229 : i32 to vector<16xi32>
          %ge3A_279 = arith.cmpi sge, %get3A_274, %ge3A_278 : vector<16xi32>
          %sub3A_280 = vector.broadcast %scan3A_229 : i32 to vector<16xi32>
          %sub3A_281 = arith.subi %get3A_274, %sub3A_280 : vector<16xi32>
          %jit3A_282 = arith.constant 0 : i32
          %broadcast_in_dim3A_283 = vector.broadcast %jit3A_282 : i32 to vector<16xi32>
          %select_n3A_284 = arith.select %ge3A_279, %sub3A_281, %broadcast_in_dim3A_283 : vector<16xi1>, vector<16xi32>
          %gather3A_285 = tpu.vector_load_idx %arg7[%select_n3A_284] masked %ge3A_279 : memref<49952xf32, #tpu.memory_space<vmem>>[vector<16xi32>], vector<16xf32>, vector<16xi1>
          tpu.vector_store_idx %arg8[%add3A_277], %gather3A_285 masked %ge3A_279 {add = true} : memref<16384xf32, #tpu.memory_space<vmem>>[vector<16xi32>], vector<16xf32>, vector<16xi1>
          %mul3A_286 = arith.constant 128 : i32
          %mul3A_287 = arith.muli %scan3A_237, %mul3A_286 : i32
          %add3A_288 = arith.constant 48 : i32
          %add3A_289 = arith.addi %mul3A_287, %add3A_288 : i32
          %get3A_290 = arith.index_cast %add3A_289 : i32 to index
          %get3A_291 = tpu.vector_load %arg5[%get3A_290] {strides = array<i32>} : memref<4096xi32, #tpu.memory_space<vmem>>, vector<16xi32>,
          %add3A_292 = arith.addi %mul3A_228, %add3A_289 : i32
          %add3A_293 = vector.broadcast %add3A_292 : i32 to vector<16xi32>
          %add3A_294 = arith.addi %iota3A, %add3A_293 : vector<16xi32>
          %ge3A_295 = vector.broadcast %scan3A_229 : i32 to vector<16xi32>
          %ge3A_296 = arith.cmpi sge, %get3A_291, %ge3A_295 : vector<16xi32>
          %sub3A_297 = vector.broadcast %scan3A_229 : i32 to vector<16xi32>
          %sub3A_298 = arith.subi %get3A_291, %sub3A_297 : vector<16xi32>
          %jit3A_299 = arith.constant 0 : i32
          %broadcast_in_dim3A_300 = vector.broadcast %jit3A_299 : i32 to vector<16xi32>
          %select_n3A_301 = arith.select %ge3A_296, %sub3A_298, %broadcast_in_dim3A_300 : vector<16xi1>, vector<16xi32>
          %gather3A_302 = tpu.vector_load_idx %arg7[%select_n3A_301] masked %ge3A_296 : memref<49952xf32, #tpu.memory_space<vmem>>[vector<16xi32>], vector<16xf32>, vector<16xi1>
          tpu.vector_store_idx %arg8[%add3A_294], %gather3A_302 masked %ge3A_296 {add = true} : memref<16384xf32, #tpu.memory_space<vmem>>[vector<16xi32>], vector<16xf32>, vector<16xi1>
          %mul3A_303 = arith.constant 128 : i32
          %mul3A_304 = arith.muli %scan3A_237, %mul3A_303 : i32
          %add3A_305 = arith.constant 64 : i32
          %add3A_306 = arith.addi %mul3A_304, %add3A_305 : i32
          %get3A_307 = arith.index_cast %add3A_306 : i32 to index
          %get3A_308 = tpu.vector_load %arg5[%get3A_307] {strides = array<i32>} : memref<4096xi32, #tpu.memory_space<vmem>>, vector<16xi32>,
          %add3A_309 = arith.addi %mul3A_228, %add3A_306 : i32
          %add3A_310 = vector.broadcast %add3A_309 : i32 to vector<16xi32>
          %add3A_311 = arith.addi %iota3A, %add3A_310 : vector<16xi32>
          %ge3A_312 = vector.broadcast %scan3A_229 : i32 to vector<16xi32>
          %ge3A_313 = arith.cmpi sge, %get3A_308, %ge3A_312 : vector<16xi32>
          %sub3A_314 = vector.broadcast %scan3A_229 : i32 to vector<16xi32>
          %sub3A_315 = arith.subi %get3A_308, %sub3A_314 : vector<16xi32>
          %jit3A_316 = arith.constant 0 : i32
          %broadcast_in_dim3A_317 = vector.broadcast %jit3A_316 : i32 to vector<16xi32>
          %select_n3A_318 = arith.select %ge3A_313, %sub3A_315, %broadcast_in_dim3A_317 : vector<16xi1>, vector<16xi32>
          %gather3A_319 = tpu.vector_load_idx %arg7[%select_n3A_318] masked %ge3A_313 : memref<49952xf32, #tpu.memory_space<vmem>>[vector<16xi32>], vector<16xf32>, vector<16xi1>
          tpu.vector_store_idx %arg8[%add3A_311], %gather3A_319 masked %ge3A_313 {add = true} : memref<16384xf32, #tpu.memory_space<vmem>>[vector<16xi32>], vector<16xf32>, vector<16xi1>
          %mul3A_320 = arith.constant 128 : i32
          %mul3A_321 = arith.muli %scan3A_237, %mul3A_320 : i32
          %add3A_322 = arith.constant 80 : i32
          %add3A_323 = arith.addi %mul3A_321, %add3A_322 : i32
          %get3A_324 = arith.index_cast %add3A_323 : i32 to index
          %get3A_325 = tpu.vector_load %arg5[%get3A_324] {strides = array<i32>} : memref<4096xi32, #tpu.memory_space<vmem>>, vector<16xi32>,
          %add3A_326 = arith.addi %mul3A_228, %add3A_323 : i32
          %add3A_327 = vector.broadcast %add3A_326 : i32 to vector<16xi32>
          %add3A_328 = arith.addi %iota3A, %add3A_327 : vector<16xi32>
          %ge3A_329 = vector.broadcast %scan3A_229 : i32 to vector<16xi32>
          %ge3A_330 = arith.cmpi sge, %get3A_325, %ge3A_329 : vector<16xi32>
          %sub3A_331 = vector.broadcast %scan3A_229 : i32 to vector<16xi32>
          %sub3A_332 = arith.subi %get3A_325, %sub3A_331 : vector<16xi32>
          %jit3A_333 = arith.constant 0 : i32
          %broadcast_in_dim3A_334 = vector.broadcast %jit3A_333 : i32 to vector<16xi32>
          %select_n3A_335 = arith.select %ge3A_330, %sub3A_332, %broadcast_in_dim3A_334 : vector<16xi1>, vector<16xi32>
          %gather3A_336 = tpu.vector_load_idx %arg7[%select_n3A_335] masked %ge3A_330 : memref<49952xf32, #tpu.memory_space<vmem>>[vector<16xi32>], vector<16xf32>, vector<16xi1>
          tpu.vector_store_idx %arg8[%add3A_328], %gather3A_336 masked %ge3A_330 {add = true} : memref<16384xf32, #tpu.memory_space<vmem>>[vector<16xi32>], vector<16xf32>, vector<16xi1>
          %mul3A_337 = arith.constant 128 : i32
          %mul3A_338 = arith.muli %scan3A_237, %mul3A_337 : i32
          %add3A_339 = arith.constant 96 : i32
          %add3A_340 = arith.addi %mul3A_338, %add3A_339 : i32
          %get3A_341 = arith.index_cast %add3A_340 : i32 to index
          %get3A_342 = tpu.vector_load %arg5[%get3A_341] {strides = array<i32>} : memref<4096xi32, #tpu.memory_space<vmem>>, vector<16xi32>,
          %add3A_343 = arith.addi %mul3A_228, %add3A_340 : i32
          %add3A_344 = vector.broadcast %add3A_343 : i32 to vector<16xi32>
          %add3A_345 = arith.addi %iota3A, %add3A_344 : vector<16xi32>
          %ge3A_346 = vector.broadcast %scan3A_229 : i32 to vector<16xi32>
          %ge3A_347 = arith.cmpi sge, %get3A_342, %ge3A_346 : vector<16xi32>
          %sub3A_348 = vector.broadcast %scan3A_229 : i32 to vector<16xi32>
          %sub3A_349 = arith.subi %get3A_342, %sub3A_348 : vector<16xi32>
          %jit3A_350 = arith.constant 0 : i32
          %broadcast_in_dim3A_351 = vector.broadcast %jit3A_350 : i32 to vector<16xi32>
          %select_n3A_352 = arith.select %ge3A_347, %sub3A_349, %broadcast_in_dim3A_351 : vector<16xi1>, vector<16xi32>
          %gather3A_353 = tpu.vector_load_idx %arg7[%select_n3A_352] masked %ge3A_347 : memref<49952xf32, #tpu.memory_space<vmem>>[vector<16xi32>], vector<16xf32>, vector<16xi1>
          tpu.vector_store_idx %arg8[%add3A_345], %gather3A_353 masked %ge3A_347 {add = true} : memref<16384xf32, #tpu.memory_space<vmem>>[vector<16xi32>], vector<16xf32>, vector<16xi1>
          %mul3A_354 = arith.constant 128 : i32
          %mul3A_355 = arith.muli %scan3A_237, %mul3A_354 : i32
          %add3A_356 = arith.constant 112 : i32
          %add3A_357 = arith.addi %mul3A_355, %add3A_356 : i32
          %get3A_358 = arith.index_cast %add3A_357 : i32 to index
          %get3A_359 = tpu.vector_load %arg5[%get3A_358] {strides = array<i32>} : memref<4096xi32, #tpu.memory_space<vmem>>, vector<16xi32>,
          %add3A_360 = arith.addi %mul3A_228, %add3A_357 : i32
          %add3A_361 = vector.broadcast %add3A_360 : i32 to vector<16xi32>
          %add3A_362 = arith.addi %iota3A, %add3A_361 : vector<16xi32>
          %ge3A_363 = vector.broadcast %scan3A_229 : i32 to vector<16xi32>
          %ge3A_364 = arith.cmpi sge, %get3A_359, %ge3A_363 : vector<16xi32>
          %sub3A_365 = vector.broadcast %scan3A_229 : i32 to vector<16xi32>
          %sub3A_366 = arith.subi %get3A_359, %sub3A_365 : vector<16xi32>
          %jit3A_367 = arith.constant 0 : i32
          %broadcast_in_dim3A_368 = vector.broadcast %jit3A_367 : i32 to vector<16xi32>
          %select_n3A_369 = arith.select %ge3A_364, %sub3A_366, %broadcast_in_dim3A_368 : vector<16xi1>, vector<16xi32>
          %gather3A_370 = tpu.vector_load_idx %arg7[%select_n3A_369] masked %ge3A_364 : memref<49952xf32, #tpu.memory_space<vmem>>[vector<16xi32>], vector<16xf32>, vector<16xi1>
          tpu.vector_store_idx %arg8[%add3A_362], %gather3A_370 masked %ge3A_364 {add = true} : memref<16384xf32, #tpu.memory_space<vmem>>[vector<16xi32>], vector<16xf32>, vector<16xi1>
          %scan3A_371 = arith.constant 0 : i32
          scf.yield %scan3A_371 : i32
        }
        %scan3A_236 = arith.constant 32 : i32
      } else {
      }
      %scan3A_104 = arith.constant 0 : i32
      scf.yield %scan3A_104 : i32
    }
    %scan3A_23 = arith.constant 104 : i32
    %mul3A_24 = arith.constant 4 : i32
    %mul3A_25 = arith.muli %arg1, %mul3A_24 : i32
    %add3A_26 = arith.constant 0 : i32
    %add3A_27 = arith.addi %mul3A_25, %add3A_26 : i32
    "tpu.region"() ({
      %run_scoped3A = tpu.sem_alloc : memref<!tpu.dma_semaphore, #tpu.memory_space<semaphore_mem>>
      %dma_start3A_40 = arith.constant 0 : i32
      %dma_start3A_41 = tpu.memref_slice %arg8[%dma_start3A_40] : memref<16384xf32, #tpu.memory_space<vmem>> -> memref<4096xf32, #tpu.memory_space<vmem>>
      %dma_start3A_42 = arith.constant 0 : i32
      %dma_start3A_43 = tpu.memref_slice %arg4[%arg0, %add3A_27, %dma_start3A_42] : memref<2x64x4096xf32, #tpu.memory_space<hbm>> -> memref<1x1x4096xf32, #tpu.memory_space<hbm>>
      %dma_start3A_44 = tpu.memref_squeeze %dma_start3A_43 : memref<1x1x4096xf32, #tpu.memory_space<hbm>> -> memref<4096xf32, #tpu.memory_space<hbm>>
      %dma_start3A_45 = arith.constant 0 : i32
      %dma_start3A_46 = tpu.memref_slice %arg4[%arg0, %add3A_27, %dma_start3A_45] : memref<2x64x4096xf32, #tpu.memory_space<hbm>> -> memref<1x1x4096xf32, #tpu.memory_space<hbm>>
      %dma_start3A_47 = tpu.memref_squeeze %dma_start3A_46 : memref<1x1x4096xf32, #tpu.memory_space<hbm>> -> memref<4096xf32, #tpu.memory_space<hbm>>
      %dma_start3A_48 = arith.constant 0 : i32
      %dma_start3A_49 = tpu.memref_slice %arg8[%dma_start3A_48] : memref<16384xf32, #tpu.memory_space<vmem>> -> memref<4096xf32, #tpu.memory_space<vmem>>
      tpu.enqueue_dma source(%dma_start3A_49 : memref<4096xf32, #tpu.memory_space<vmem>>) target(%dma_start3A_47 : memref<4096xf32, #tpu.memory_space<hbm>>) target_semaphore(%run_scoped3A : memref<!tpu.dma_semaphore, #tpu.memory_space<semaphore_mem>>)
      %dma_wait3A = arith.constant 0 : i32
      %dma_wait3A_50 = tpu.memref_slice %arg8[%dma_wait3A] : memref<16384xf32, #tpu.memory_space<vmem>> -> memref<4096xf32, #tpu.memory_space<vmem>>
      %dma_wait3A_51 = arith.constant 0 : i32
      %dma_wait3A_52 = tpu.memref_slice %arg4[%arg0, %add3A_27, %dma_wait3A_51] : memref<2x64x4096xf32, #tpu.memory_space<hbm>> -> memref<1x1x4096xf32, #tpu.memory_space<hbm>>
      %dma_wait3A_53 = tpu.memref_squeeze %dma_wait3A_52 : memref<1x1x4096xf32, #tpu.memory_space<hbm>> -> memref<4096xf32, #tpu.memory_space<hbm>>
      %dma_wait3A_54 = arith.constant 0 : i32
      %dma_wait3A_55 = tpu.memref_slice %arg4[%arg0, %add3A_27, %dma_wait3A_54] : memref<2x64x4096xf32, #tpu.memory_space<hbm>> -> memref<1x1x4096xf32, #tpu.memory_space<hbm>>
      %dma_wait3A_56 = tpu.memref_squeeze %dma_wait3A_55 : memref<1x1x4096xf32, #tpu.memory_space<hbm>> -> memref<4096xf32, #tpu.memory_space<hbm>>
      %dma_wait3A_57 = arith.constant 0 : i32
      %dma_wait3A_58 = tpu.memref_slice %arg8[%dma_wait3A_57] : memref<16384xf32, #tpu.memory_space<vmem>> -> memref<4096xf32, #tpu.memory_space<vmem>>
      tpu.wait_dma2 semaphore(%run_scoped3A : memref<!tpu.dma_semaphore, #tpu.memory_space<semaphore_mem>>) src(%dma_wait3A_58 : memref<4096xf32, #tpu.memory_space<vmem>>) dst(%dma_wait3A_56 : memref<4096xf32, #tpu.memory_space<hbm>>)
      tpu.yield
    }) : () -> ()
    %mul3A_28 = arith.constant 4 : i32
    %mul3A_29 = arith.muli %arg1, %mul3A_28 : i32
    %add3A_30 = arith.constant 1 : i32
    %add3A_31 = arith.addi %mul3A_29, %add3A_30 : i32
    "tpu.region"() ({
      %run_scoped3A = tpu.sem_alloc : memref<!tpu.dma_semaphore, #tpu.memory_space<semaphore_mem>>
      %dma_start3A_40 = arith.constant 4096 : i32
      %dma_start3A_41 = tpu.memref_slice %arg8[%dma_start3A_40] : memref<16384xf32, #tpu.memory_space<vmem>> -> memref<4096xf32, #tpu.memory_space<vmem>>
      %dma_start3A_42 = arith.constant 0 : i32
      %dma_start3A_43 = tpu.memref_slice %arg4[%arg0, %add3A_31, %dma_start3A_42] : memref<2x64x4096xf32, #tpu.memory_space<hbm>> -> memref<1x1x4096xf32, #tpu.memory_space<hbm>>
      %dma_start3A_44 = tpu.memref_squeeze %dma_start3A_43 : memref<1x1x4096xf32, #tpu.memory_space<hbm>> -> memref<4096xf32, #tpu.memory_space<hbm>>
      %dma_start3A_45 = arith.constant 0 : i32
      %dma_start3A_46 = tpu.memref_slice %arg4[%arg0, %add3A_31, %dma_start3A_45] : memref<2x64x4096xf32, #tpu.memory_space<hbm>> -> memref<1x1x4096xf32, #tpu.memory_space<hbm>>
      %dma_start3A_47 = tpu.memref_squeeze %dma_start3A_46 : memref<1x1x4096xf32, #tpu.memory_space<hbm>> -> memref<4096xf32, #tpu.memory_space<hbm>>
      %dma_start3A_48 = arith.constant 4096 : i32
      %dma_start3A_49 = tpu.memref_slice %arg8[%dma_start3A_48] : memref<16384xf32, #tpu.memory_space<vmem>> -> memref<4096xf32, #tpu.memory_space<vmem>>
      tpu.enqueue_dma source(%dma_start3A_49 : memref<4096xf32, #tpu.memory_space<vmem>>) target(%dma_start3A_47 : memref<4096xf32, #tpu.memory_space<hbm>>) target_semaphore(%run_scoped3A : memref<!tpu.dma_semaphore, #tpu.memory_space<semaphore_mem>>)
      %dma_wait3A = arith.constant 4096 : i32
      %dma_wait3A_50 = tpu.memref_slice %arg8[%dma_wait3A] : memref<16384xf32, #tpu.memory_space<vmem>> -> memref<4096xf32, #tpu.memory_space<vmem>>
      %dma_wait3A_51 = arith.constant 0 : i32
      %dma_wait3A_52 = tpu.memref_slice %arg4[%arg0, %add3A_31, %dma_wait3A_51] : memref<2x64x4096xf32, #tpu.memory_space<hbm>> -> memref<1x1x4096xf32, #tpu.memory_space<hbm>>
      %dma_wait3A_53 = tpu.memref_squeeze %dma_wait3A_52 : memref<1x1x4096xf32, #tpu.memory_space<hbm>> -> memref<4096xf32, #tpu.memory_space<hbm>>
      %dma_wait3A_54 = arith.constant 0 : i32
      %dma_wait3A_55 = tpu.memref_slice %arg4[%arg0, %add3A_31, %dma_wait3A_54] : memref<2x64x4096xf32, #tpu.memory_space<hbm>> -> memref<1x1x4096xf32, #tpu.memory_space<hbm>>
      %dma_wait3A_56 = tpu.memref_squeeze %dma_wait3A_55 : memref<1x1x4096xf32, #tpu.memory_space<hbm>> -> memref<4096xf32, #tpu.memory_space<hbm>>
      %dma_wait3A_57 = arith.constant 4096 : i32
      %dma_wait3A_58 = tpu.memref_slice %arg8[%dma_wait3A_57] : memref<16384xf32, #tpu.memory_space<vmem>> -> memref<4096xf32, #tpu.memory_space<vmem>>
      tpu.wait_dma2 semaphore(%run_scoped3A : memref<!tpu.dma_semaphore, #tpu.memory_space<semaphore_mem>>) src(%dma_wait3A_58 : memref<4096xf32, #tpu.memory_space<vmem>>) dst(%dma_wait3A_56 : memref<4096xf32, #tpu.memory_space<hbm>>)
      tpu.yield
    }) : () -> ()
    %mul3A_32 = arith.constant 4 : i32
    %mul3A_33 = arith.muli %arg1, %mul3A_32 : i32
    %add3A_34 = arith.constant 2 : i32
    %add3A_35 = arith.addi %mul3A_33, %add3A_34 : i32
    "tpu.region"() ({
      %run_scoped3A = tpu.sem_alloc : memref<!tpu.dma_semaphore, #tpu.memory_space<semaphore_mem>>
      %dma_start3A_40 = arith.constant 8192 : i32
      %dma_start3A_41 = tpu.memref_slice %arg8[%dma_start3A_40] : memref<16384xf32, #tpu.memory_space<vmem>> -> memref<4096xf32, #tpu.memory_space<vmem>>
      %dma_start3A_42 = arith.constant 0 : i32
      %dma_start3A_43 = tpu.memref_slice %arg4[%arg0, %add3A_35, %dma_start3A_42] : memref<2x64x4096xf32, #tpu.memory_space<hbm>> -> memref<1x1x4096xf32, #tpu.memory_space<hbm>>
      %dma_start3A_44 = tpu.memref_squeeze %dma_start3A_43 : memref<1x1x4096xf32, #tpu.memory_space<hbm>> -> memref<4096xf32, #tpu.memory_space<hbm>>
      %dma_start3A_45 = arith.constant 0 : i32
      %dma_start3A_46 = tpu.memref_slice %arg4[%arg0, %add3A_35, %dma_start3A_45] : memref<2x64x4096xf32, #tpu.memory_space<hbm>> -> memref<1x1x4096xf32, #tpu.memory_space<hbm>>
      %dma_start3A_47 = tpu.memref_squeeze %dma_start3A_46 : memref<1x1x4096xf32, #tpu.memory_space<hbm>> -> memref<4096xf32, #tpu.memory_space<hbm>>
      %dma_start3A_48 = arith.constant 8192 : i32
      %dma_start3A_49 = tpu.memref_slice %arg8[%dma_start3A_48] : memref<16384xf32, #tpu.memory_space<vmem>> -> memref<4096xf32, #tpu.memory_space<vmem>>
      tpu.enqueue_dma source(%dma_start3A_49 : memref<4096xf32, #tpu.memory_space<vmem>>) target(%dma_start3A_47 : memref<4096xf32, #tpu.memory_space<hbm>>) target_semaphore(%run_scoped3A : memref<!tpu.dma_semaphore, #tpu.memory_space<semaphore_mem>>)
      %dma_wait3A = arith.constant 8192 : i32
      %dma_wait3A_50 = tpu.memref_slice %arg8[%dma_wait3A] : memref<16384xf32, #tpu.memory_space<vmem>> -> memref<4096xf32, #tpu.memory_space<vmem>>
      %dma_wait3A_51 = arith.constant 0 : i32
      %dma_wait3A_52 = tpu.memref_slice %arg4[%arg0, %add3A_35, %dma_wait3A_51] : memref<2x64x4096xf32, #tpu.memory_space<hbm>> -> memref<1x1x4096xf32, #tpu.memory_space<hbm>>
      %dma_wait3A_53 = tpu.memref_squeeze %dma_wait3A_52 : memref<1x1x4096xf32, #tpu.memory_space<hbm>> -> memref<4096xf32, #tpu.memory_space<hbm>>
      %dma_wait3A_54 = arith.constant 0 : i32
      %dma_wait3A_55 = tpu.memref_slice %arg4[%arg0, %add3A_35, %dma_wait3A_54] : memref<2x64x4096xf32, #tpu.memory_space<hbm>> -> memref<1x1x4096xf32, #tpu.memory_space<hbm>>
      %dma_wait3A_56 = tpu.memref_squeeze %dma_wait3A_55 : memref<1x1x4096xf32, #tpu.memory_space<hbm>> -> memref<4096xf32, #tpu.memory_space<hbm>>
      %dma_wait3A_57 = arith.constant 8192 : i32
      %dma_wait3A_58 = tpu.memref_slice %arg8[%dma_wait3A_57] : memref<16384xf32, #tpu.memory_space<vmem>> -> memref<4096xf32, #tpu.memory_space<vmem>>
      tpu.wait_dma2 semaphore(%run_scoped3A : memref<!tpu.dma_semaphore, #tpu.memory_space<semaphore_mem>>) src(%dma_wait3A_58 : memref<4096xf32, #tpu.memory_space<vmem>>) dst(%dma_wait3A_56 : memref<4096xf32, #tpu.memory_space<hbm>>)
      tpu.yield
    }) : () -> ()
    %mul3A_36 = arith.constant 4 : i32
    %mul3A_37 = arith.muli %arg1, %mul3A_36 : i32
    %add3A_38 = arith.constant 3 : i32
    %add3A_39 = arith.addi %mul3A_37, %add3A_38 : i32
    "tpu.region"() ({
      %run_scoped3A = tpu.sem_alloc : memref<!tpu.dma_semaphore, #tpu.memory_space<semaphore_mem>>
      %dma_start3A_40 = arith.constant 12288 : i32
      %dma_start3A_41 = tpu.memref_slice %arg8[%dma_start3A_40] : memref<16384xf32, #tpu.memory_space<vmem>> -> memref<4096xf32, #tpu.memory_space<vmem>>
      %dma_start3A_42 = arith.constant 0 : i32
      %dma_start3A_43 = tpu.memref_slice %arg4[%arg0, %add3A_39, %dma_start3A_42] : memref<2x64x4096xf32, #tpu.memory_space<hbm>> -> memref<1x1x4096xf32, #tpu.memory_space<hbm>>
      %dma_start3A_44 = tpu.memref_squeeze %dma_start3A_43 : memref<1x1x4096xf32, #tpu.memory_space<hbm>> -> memref<4096xf32, #tpu.memory_space<hbm>>
      %dma_start3A_45 = arith.constant 0 : i32
      %dma_start3A_46 = tpu.memref_slice %arg4[%arg0, %add3A_39, %dma_start3A_45] : memref<2x64x4096xf32, #tpu.memory_space<hbm>> -> memref<1x1x4096xf32, #tpu.memory_space<hbm>>
      %dma_start3A_47 = tpu.memref_squeeze %dma_start3A_46 : memref<1x1x4096xf32, #tpu.memory_space<hbm>> -> memref<4096xf32, #tpu.memory_space<hbm>>
      %dma_start3A_48 = arith.constant 12288 : i32
      %dma_start3A_49 = tpu.memref_slice %arg8[%dma_start3A_48] : memref<16384xf32, #tpu.memory_space<vmem>> -> memref<4096xf32, #tpu.memory_space<vmem>>
      tpu.enqueue_dma source(%dma_start3A_49 : memref<4096xf32, #tpu.memory_space<vmem>>) target(%dma_start3A_47 : memref<4096xf32, #tpu.memory_space<hbm>>) target_semaphore(%run_scoped3A : memref<!tpu.dma_semaphore, #tpu.memory_space<semaphore_mem>>)
      %dma_wait3A = arith.constant 12288 : i32
      %dma_wait3A_50 = tpu.memref_slice %arg8[%dma_wait3A] : memref<16384xf32, #tpu.memory_space<vmem>> -> memref<4096xf32, #tpu.memory_space<vmem>>
      %dma_wait3A_51 = arith.constant 0 : i32
      %dma_wait3A_52 = tpu.memref_slice %arg4[%arg0, %add3A_39, %dma_wait3A_51] : memref<2x64x4096xf32, #tpu.memory_space<hbm>> -> memref<1x1x4096xf32, #tpu.memory_space<hbm>>
      %dma_wait3A_53 = tpu.memref_squeeze %dma_wait3A_52 : memref<1x1x4096xf32, #tpu.memory_space<hbm>> -> memref<4096xf32, #tpu.memory_space<hbm>>
      %dma_wait3A_54 = arith.constant 0 : i32
      %dma_wait3A_55 = tpu.memref_slice %arg4[%arg0, %add3A_39, %dma_wait3A_54] : memref<2x64x4096xf32, #tpu.memory_space<hbm>> -> memref<1x1x4096xf32, #tpu.memory_space<hbm>>
      %dma_wait3A_56 = tpu.memref_squeeze %dma_wait3A_55 : memref<1x1x4096xf32, #tpu.memory_space<hbm>> -> memref<4096xf32, #tpu.memory_space<hbm>>
      %dma_wait3A_57 = arith.constant 12288 : i32
      %dma_wait3A_58 = tpu.memref_slice %arg8[%dma_wait3A_57] : memref<16384xf32, #tpu.memory_space<vmem>> -> memref<4096xf32, #tpu.memory_space<vmem>>
      tpu.wait_dma2 semaphore(%run_scoped3A : memref<!tpu.dma_semaphore, #tpu.memory_space<semaphore_mem>>) src(%dma_wait3A_58 : memref<4096xf32, #tpu.memory_space<vmem>>) dst(%dma_wait3A_56 : memref<4096xf32, #tpu.memory_space<hbm>>)
      tpu.yield
    }) : () -> ()
    return
  }
}

#map = affine_map<(d0, d1) -> (0, 0, 0)>
#map1 = affine_map<(d0, d1) -> (0, 0)>
module attributes {stable_mosaic.version = 14 : i64} {
  func.func @_combine_body(%arg0: i32, %arg1: i32, %arg2: memref<2x64x4096xf32, #tpu.memory_space<hbm>>, %arg3: memref<64x4096xf32, #tpu.memory_space<hbm>>, %arg4: memref<64x128xf32, #tpu.memory_space<vmem>>, %arg5: memref<64x128xf32, #tpu.memory_space<vmem>>, %arg6: memref<64x128xf32, #tpu.memory_space<vmem>>) attributes {dimension_semantics = [#tpu.dimension_semantics<core_parallel>, #tpu.dimension_semantics<subcore_parallel>], iteration_bounds = array<i64: 2, 16>, scalar_prefetch = 0 : i64, scratch_operands = 3 : i64, tpu.core_type = #tpu.core_type<sc_vector_subcore>, window_params = [{transform_indices = #map}, {transform_indices = #map1}]} {
    %mul3A = arith.constant 2 : i32
    %mul3A_0 = arith.muli %arg1, %mul3A : i32
    %add3A = arith.addi %mul3A_0, %arg0 : i32
    %mul3A_1 = arith.constant 128 : i32
    %mul3A_2 = arith.muli %add3A, %mul3A_1 : i32
    %run_scoped3A = arith.constant 0 : i32
    "tpu.region"() ({
      %run_scoped3A_15 = tpu.sem_alloc : memref<!tpu.dma_semaphore, #tpu.memory_space<semaphore_mem>>
      %dma_start3A = arith.constant 0 : i32
      %dma_start3A_16 = tpu.memref_slice %arg2[%run_scoped3A, %dma_start3A, %mul3A_2] : memref<2x64x4096xf32, #tpu.memory_space<hbm>> -> memref<1x64x128xf32, #tpu.memory_space<hbm>>
      %dma_start3A_17 = tpu.memref_squeeze %dma_start3A_16 : memref<1x64x128xf32, #tpu.memory_space<hbm>> -> memref<64x128xf32, #tpu.memory_space<hbm>>
      %dma_start3A_18 = arith.constant 0 : i32
      %dma_start3A_19 = tpu.memref_slice %arg2[%run_scoped3A, %dma_start3A_18, %mul3A_2] : memref<2x64x4096xf32, #tpu.memory_space<hbm>> -> memref<1x64x128xf32, #tpu.memory_space<hbm>>
      %dma_start3A_20 = tpu.memref_squeeze %dma_start3A_19 : memref<1x64x128xf32, #tpu.memory_space<hbm>> -> memref<64x128xf32, #tpu.memory_space<hbm>>
      tpu.enqueue_dma source(%dma_start3A_20 : memref<64x128xf32, #tpu.memory_space<hbm>>) target(%arg4 : memref<64x128xf32, #tpu.memory_space<vmem>>) target_semaphore(%run_scoped3A_15 : memref<!tpu.dma_semaphore, #tpu.memory_space<semaphore_mem>>)
      %dma_wait3A = arith.constant 0 : i32
      %dma_wait3A_21 = tpu.memref_slice %arg2[%run_scoped3A, %dma_wait3A, %mul3A_2] : memref<2x64x4096xf32, #tpu.memory_space<hbm>> -> memref<1x64x128xf32, #tpu.memory_space<hbm>>
      %dma_wait3A_22 = tpu.memref_squeeze %dma_wait3A_21 : memref<1x64x128xf32, #tpu.memory_space<hbm>> -> memref<64x128xf32, #tpu.memory_space<hbm>>
      %dma_wait3A_23 = arith.constant 0 : i32
      %dma_wait3A_24 = tpu.memref_slice %arg2[%run_scoped3A, %dma_wait3A_23, %mul3A_2] : memref<2x64x4096xf32, #tpu.memory_space<hbm>> -> memref<1x64x128xf32, #tpu.memory_space<hbm>>
      %dma_wait3A_25 = tpu.memref_squeeze %dma_wait3A_24 : memref<1x64x128xf32, #tpu.memory_space<hbm>> -> memref<64x128xf32, #tpu.memory_space<hbm>>
      tpu.wait_dma2 semaphore(%run_scoped3A_15 : memref<!tpu.dma_semaphore, #tpu.memory_space<semaphore_mem>>) src(%dma_wait3A_25 : memref<64x128xf32, #tpu.memory_space<hbm>>) dst(%arg4 : memref<64x128xf32, #tpu.memory_space<vmem>>)
      tpu.yield
    }) : () -> ()
    %mul3A_3 = arith.constant 128 : i32
    %mul3A_4 = arith.muli %add3A, %mul3A_3 : i32
    %run_scoped3A_5 = arith.constant 1 : i32
    "tpu.region"() ({
      %run_scoped3A_15 = tpu.sem_alloc : memref<!tpu.dma_semaphore, #tpu.memory_space<semaphore_mem>>
      %dma_start3A = arith.constant 0 : i32
      %dma_start3A_16 = tpu.memref_slice %arg2[%run_scoped3A_5, %dma_start3A, %mul3A_4] : memref<2x64x4096xf32, #tpu.memory_space<hbm>> -> memref<1x64x128xf32, #tpu.memory_space<hbm>>
      %dma_start3A_17 = tpu.memref_squeeze %dma_start3A_16 : memref<1x64x128xf32, #tpu.memory_space<hbm>> -> memref<64x128xf32, #tpu.memory_space<hbm>>
      %dma_start3A_18 = arith.constant 0 : i32
      %dma_start3A_19 = tpu.memref_slice %arg2[%run_scoped3A_5, %dma_start3A_18, %mul3A_4] : memref<2x64x4096xf32, #tpu.memory_space<hbm>> -> memref<1x64x128xf32, #tpu.memory_space<hbm>>
      %dma_start3A_20 = tpu.memref_squeeze %dma_start3A_19 : memref<1x64x128xf32, #tpu.memory_space<hbm>> -> memref<64x128xf32, #tpu.memory_space<hbm>>
      tpu.enqueue_dma source(%dma_start3A_20 : memref<64x128xf32, #tpu.memory_space<hbm>>) target(%arg5 : memref<64x128xf32, #tpu.memory_space<vmem>>) target_semaphore(%run_scoped3A_15 : memref<!tpu.dma_semaphore, #tpu.memory_space<semaphore_mem>>)
      %dma_wait3A = arith.constant 0 : i32
      %dma_wait3A_21 = tpu.memref_slice %arg2[%run_scoped3A_5, %dma_wait3A, %mul3A_4] : memref<2x64x4096xf32, #tpu.memory_space<hbm>> -> memref<1x64x128xf32, #tpu.memory_space<hbm>>
      %dma_wait3A_22 = tpu.memref_squeeze %dma_wait3A_21 : memref<1x64x128xf32, #tpu.memory_space<hbm>> -> memref<64x128xf32, #tpu.memory_space<hbm>>
      %dma_wait3A_23 = arith.constant 0 : i32
      %dma_wait3A_24 = tpu.memref_slice %arg2[%run_scoped3A_5, %dma_wait3A_23, %mul3A_4] : memref<2x64x4096xf32, #tpu.memory_space<hbm>> -> memref<1x64x128xf32, #tpu.memory_space<hbm>>
      %dma_wait3A_25 = tpu.memref_squeeze %dma_wait3A_24 : memref<1x64x128xf32, #tpu.memory_space<hbm>> -> memref<64x128xf32, #tpu.memory_space<hbm>>
      tpu.wait_dma2 semaphore(%run_scoped3A_15 : memref<!tpu.dma_semaphore, #tpu.memory_space<semaphore_mem>>) src(%dma_wait3A_25 : memref<64x128xf32, #tpu.memory_space<hbm>>) dst(%arg5 : memref<64x128xf32, #tpu.memory_space<vmem>>)
      tpu.yield
    }) : () -> ()
    %scan3A = arith.constant 0.0384615399 : f32
    %scan3A_6 = arith.constant 0 : i32
    %scan3A_7 = arith.constant 0 : i32
    %scan3A_8 = arith.constant 64 : i32
    %scan3A_9 = arith.addi %scan3A_7, %scan3A_8 : i32
    %scan3A_10 = arith.constant 1 : i32
    %scan3A_11 = scf.for %scan3A_15 = %scan3A_7 to %scan3A_9 step %scan3A_10 iter_args(%scan3A_16 = %scan3A_6) -> (i32)  : i32 {
      %get3A = arith.index_cast %scan3A_15 : i32 to index
      %get3A_17 = arith.constant 0 : index
      %get3A_18 = tpu.vector_load %arg4[%get3A, %get3A_17] {strides = array<i32>} : memref<64x128xf32, #tpu.memory_space<vmem>>, vector<16xf32>,
      %get3A_19 = arith.index_cast %scan3A_15 : i32 to index
      %get3A_20 = arith.constant 0 : index
      %get3A_21 = tpu.vector_load %arg5[%get3A_19, %get3A_20] {strides = array<i32>} : memref<64x128xf32, #tpu.memory_space<vmem>>, vector<16xf32>,
      %add3A_22 = arith.addf %get3A_18, %get3A_21 : vector<16xf32>
      %mul3A_23 = vector.broadcast %scan3A : f32 to vector<16xf32>
      %mul3A_24 = arith.mulf %add3A_22, %mul3A_23 : vector<16xf32>
      %swap3A = arith.index_cast %scan3A_15 : i32 to index
      %swap3A_25 = arith.constant 0 : index
      %swap3A_26 = tpu.vector_load %arg6[%swap3A, %swap3A_25] {strides = array<i32>} : memref<64x128xf32, #tpu.memory_space<vmem>>, vector<16xf32>,
      tpu.vector_store %arg6[%swap3A, %swap3A_25], %mul3A_24 {strides = array<i32>} : memref<64x128xf32, #tpu.memory_space<vmem>>, vector<16xf32>,
      %get3A_27 = arith.index_cast %scan3A_15 : i32 to index
      %get3A_28 = arith.constant 16 : index
      %get3A_29 = tpu.vector_load %arg4[%get3A_27, %get3A_28] {strides = array<i32>} : memref<64x128xf32, #tpu.memory_space<vmem>>, vector<16xf32>,
      %get3A_30 = arith.index_cast %scan3A_15 : i32 to index
      %get3A_31 = arith.constant 16 : index
      %get3A_32 = tpu.vector_load %arg5[%get3A_30, %get3A_31] {strides = array<i32>} : memref<64x128xf32, #tpu.memory_space<vmem>>, vector<16xf32>,
      %add3A_33 = arith.addf %get3A_29, %get3A_32 : vector<16xf32>
      %mul3A_34 = vector.broadcast %scan3A : f32 to vector<16xf32>
      %mul3A_35 = arith.mulf %add3A_33, %mul3A_34 : vector<16xf32>
      %swap3A_36 = arith.index_cast %scan3A_15 : i32 to index
      %swap3A_37 = arith.constant 16 : index
      %swap3A_38 = tpu.vector_load %arg6[%swap3A_36, %swap3A_37] {strides = array<i32>} : memref<64x128xf32, #tpu.memory_space<vmem>>, vector<16xf32>,
      tpu.vector_store %arg6[%swap3A_36, %swap3A_37], %mul3A_35 {strides = array<i32>} : memref<64x128xf32, #tpu.memory_space<vmem>>, vector<16xf32>,
      %get3A_39 = arith.index_cast %scan3A_15 : i32 to index
      %get3A_40 = arith.constant 32 : index
      %get3A_41 = tpu.vector_load %arg4[%get3A_39, %get3A_40] {strides = array<i32>} : memref<64x128xf32, #tpu.memory_space<vmem>>, vector<16xf32>,
      %get3A_42 = arith.index_cast %scan3A_15 : i32 to index
      %get3A_43 = arith.constant 32 : index
      %get3A_44 = tpu.vector_load %arg5[%get3A_42, %get3A_43] {strides = array<i32>} : memref<64x128xf32, #tpu.memory_space<vmem>>, vector<16xf32>,
      %add3A_45 = arith.addf %get3A_41, %get3A_44 : vector<16xf32>
      %mul3A_46 = vector.broadcast %scan3A : f32 to vector<16xf32>
      %mul3A_47 = arith.mulf %add3A_45, %mul3A_46 : vector<16xf32>
      %swap3A_48 = arith.index_cast %scan3A_15 : i32 to index
      %swap3A_49 = arith.constant 32 : index
      %swap3A_50 = tpu.vector_load %arg6[%swap3A_48, %swap3A_49] {strides = array<i32>} : memref<64x128xf32, #tpu.memory_space<vmem>>, vector<16xf32>,
      tpu.vector_store %arg6[%swap3A_48, %swap3A_49], %mul3A_47 {strides = array<i32>} : memref<64x128xf32, #tpu.memory_space<vmem>>, vector<16xf32>,
      %get3A_51 = arith.index_cast %scan3A_15 : i32 to index
      %get3A_52 = arith.constant 48 : index
      %get3A_53 = tpu.vector_load %arg4[%get3A_51, %get3A_52] {strides = array<i32>} : memref<64x128xf32, #tpu.memory_space<vmem>>, vector<16xf32>,
      %get3A_54 = arith.index_cast %scan3A_15 : i32 to index
      %get3A_55 = arith.constant 48 : index
      %get3A_56 = tpu.vector_load %arg5[%get3A_54, %get3A_55] {strides = array<i32>} : memref<64x128xf32, #tpu.memory_space<vmem>>, vector<16xf32>,
      %add3A_57 = arith.addf %get3A_53, %get3A_56 : vector<16xf32>
      %mul3A_58 = vector.broadcast %scan3A : f32 to vector<16xf32>
      %mul3A_59 = arith.mulf %add3A_57, %mul3A_58 : vector<16xf32>
      %swap3A_60 = arith.index_cast %scan3A_15 : i32 to index
      %swap3A_61 = arith.constant 48 : index
      %swap3A_62 = tpu.vector_load %arg6[%swap3A_60, %swap3A_61] {strides = array<i32>} : memref<64x128xf32, #tpu.memory_space<vmem>>, vector<16xf32>,
      tpu.vector_store %arg6[%swap3A_60, %swap3A_61], %mul3A_59 {strides = array<i32>} : memref<64x128xf32, #tpu.memory_space<vmem>>, vector<16xf32>,
      %get3A_63 = arith.index_cast %scan3A_15 : i32 to index
      %get3A_64 = arith.constant 64 : index
      %get3A_65 = tpu.vector_load %arg4[%get3A_63, %get3A_64] {strides = array<i32>} : memref<64x128xf32, #tpu.memory_space<vmem>>, vector<16xf32>,
      %get3A_66 = arith.index_cast %scan3A_15 : i32 to index
      %get3A_67 = arith.constant 64 : index
      %get3A_68 = tpu.vector_load %arg5[%get3A_66, %get3A_67] {strides = array<i32>} : memref<64x128xf32, #tpu.memory_space<vmem>>, vector<16xf32>,
      %add3A_69 = arith.addf %get3A_65, %get3A_68 : vector<16xf32>
      %mul3A_70 = vector.broadcast %scan3A : f32 to vector<16xf32>
      %mul3A_71 = arith.mulf %add3A_69, %mul3A_70 : vector<16xf32>
      %swap3A_72 = arith.index_cast %scan3A_15 : i32 to index
      %swap3A_73 = arith.constant 64 : index
      %swap3A_74 = tpu.vector_load %arg6[%swap3A_72, %swap3A_73] {strides = array<i32>} : memref<64x128xf32, #tpu.memory_space<vmem>>, vector<16xf32>,
      tpu.vector_store %arg6[%swap3A_72, %swap3A_73], %mul3A_71 {strides = array<i32>} : memref<64x128xf32, #tpu.memory_space<vmem>>, vector<16xf32>,
      %get3A_75 = arith.index_cast %scan3A_15 : i32 to index
      %get3A_76 = arith.constant 80 : index
      %get3A_77 = tpu.vector_load %arg4[%get3A_75, %get3A_76] {strides = array<i32>} : memref<64x128xf32, #tpu.memory_space<vmem>>, vector<16xf32>,
      %get3A_78 = arith.index_cast %scan3A_15 : i32 to index
      %get3A_79 = arith.constant 80 : index
      %get3A_80 = tpu.vector_load %arg5[%get3A_78, %get3A_79] {strides = array<i32>} : memref<64x128xf32, #tpu.memory_space<vmem>>, vector<16xf32>,
      %add3A_81 = arith.addf %get3A_77, %get3A_80 : vector<16xf32>
      %mul3A_82 = vector.broadcast %scan3A : f32 to vector<16xf32>
      %mul3A_83 = arith.mulf %add3A_81, %mul3A_82 : vector<16xf32>
      %swap3A_84 = arith.index_cast %scan3A_15 : i32 to index
      %swap3A_85 = arith.constant 80 : index
      %swap3A_86 = tpu.vector_load %arg6[%swap3A_84, %swap3A_85] {strides = array<i32>} : memref<64x128xf32, #tpu.memory_space<vmem>>, vector<16xf32>,
      tpu.vector_store %arg6[%swap3A_84, %swap3A_85], %mul3A_83 {strides = array<i32>} : memref<64x128xf32, #tpu.memory_space<vmem>>, vector<16xf32>,
      %get3A_87 = arith.index_cast %scan3A_15 : i32 to index
      %get3A_88 = arith.constant 96 : index
      %get3A_89 = tpu.vector_load %arg4[%get3A_87, %get3A_88] {strides = array<i32>} : memref<64x128xf32, #tpu.memory_space<vmem>>, vector<16xf32>,
      %get3A_90 = arith.index_cast %scan3A_15 : i32 to index
      %get3A_91 = arith.constant 96 : index
      %get3A_92 = tpu.vector_load %arg5[%get3A_90, %get3A_91] {strides = array<i32>} : memref<64x128xf32, #tpu.memory_space<vmem>>, vector<16xf32>,
      %add3A_93 = arith.addf %get3A_89, %get3A_92 : vector<16xf32>
      %mul3A_94 = vector.broadcast %scan3A : f32 to vector<16xf32>
      %mul3A_95 = arith.mulf %add3A_93, %mul3A_94 : vector<16xf32>
      %swap3A_96 = arith.index_cast %scan3A_15 : i32 to index
      %swap3A_97 = arith.constant 96 : index
      %swap3A_98 = tpu.vector_load %arg6[%swap3A_96, %swap3A_97] {strides = array<i32>} : memref<64x128xf32, #tpu.memory_space<vmem>>, vector<16xf32>,
      tpu.vector_store %arg6[%swap3A_96, %swap3A_97], %mul3A_95 {strides = array<i32>} : memref<64x128xf32, #tpu.memory_space<vmem>>, vector<16xf32>,
      %get3A_99 = arith.index_cast %scan3A_15 : i32 to index
      %get3A_100 = arith.constant 112 : index
      %get3A_101 = tpu.vector_load %arg4[%get3A_99, %get3A_100] {strides = array<i32>} : memref<64x128xf32, #tpu.memory_space<vmem>>, vector<16xf32>,
      %get3A_102 = arith.index_cast %scan3A_15 : i32 to index
      %get3A_103 = arith.constant 112 : index
      %get3A_104 = tpu.vector_load %arg5[%get3A_102, %get3A_103] {strides = array<i32>} : memref<64x128xf32, #tpu.memory_space<vmem>>, vector<16xf32>,
      %add3A_105 = arith.addf %get3A_101, %get3A_104 : vector<16xf32>
      %mul3A_106 = vector.broadcast %scan3A : f32 to vector<16xf32>
      %mul3A_107 = arith.mulf %add3A_105, %mul3A_106 : vector<16xf32>
      %swap3A_108 = arith.index_cast %scan3A_15 : i32 to index
      %swap3A_109 = arith.constant 112 : index
      %swap3A_110 = tpu.vector_load %arg6[%swap3A_108, %swap3A_109] {strides = array<i32>} : memref<64x128xf32, #tpu.memory_space<vmem>>, vector<16xf32>,
      tpu.vector_store %arg6[%swap3A_108, %swap3A_109], %mul3A_107 {strides = array<i32>} : memref<64x128xf32, #tpu.memory_space<vmem>>, vector<16xf32>,
      %scan3A_111 = arith.constant 0 : i32
      scf.yield %scan3A_111 : i32
    }
    %scan3A_12 = arith.constant 64 : i32
    %mul3A_13 = arith.constant 128 : i32
    %mul3A_14 = arith.muli %add3A, %mul3A_13 : i32
    "tpu.region"() ({
      %run_scoped3A_15 = tpu.sem_alloc : memref<!tpu.dma_semaphore, #tpu.memory_space<semaphore_mem>>
      %dma_start3A = arith.constant 0 : i32
      %dma_start3A_16 = tpu.memref_slice %arg3[%dma_start3A, %mul3A_14] : memref<64x4096xf32, #tpu.memory_space<hbm>> -> memref<64x128xf32, #tpu.memory_space<hbm>>
      %dma_start3A_17 = arith.constant 0 : i32
      %dma_start3A_18 = tpu.memref_slice %arg3[%dma_start3A_17, %mul3A_14] : memref<64x4096xf32, #tpu.memory_space<hbm>> -> memref<64x128xf32, #tpu.memory_space<hbm>>
      tpu.enqueue_dma source(%arg6 : memref<64x128xf32, #tpu.memory_space<vmem>>) target(%dma_start3A_18 : memref<64x128xf32, #tpu.memory_space<hbm>>) target_semaphore(%run_scoped3A_15 : memref<!tpu.dma_semaphore, #tpu.memory_space<semaphore_mem>>)
      %dma_wait3A = arith.constant 0 : i32
      %dma_wait3A_19 = tpu.memref_slice %arg3[%dma_wait3A, %mul3A_14] : memref<64x4096xf32, #tpu.memory_space<hbm>> -> memref<64x128xf32, #tpu.memory_space<hbm>>
      %dma_wait3A_20 = arith.constant 0 : i32
      %dma_wait3A_21 = tpu.memref_slice %arg3[%dma_wait3A_20, %mul3A_14] : memref<64x4096xf32, #tpu.memory_space<hbm>> -> memref<64x128xf32, #tpu.memory_space<hbm>>
      tpu.wait_dma2 semaphore(%run_scoped3A_15 : memref<!tpu.dma_semaphore, #tpu.memory_space<semaphore_mem>>) src(%arg6 : memref<64x128xf32, #tpu.memory_space<vmem>>) dst(%dma_wait3A_21 : memref<64x128xf32, #tpu.memory_space<hbm>>)
      tpu.yield
    }) : () -> ()
    return
  }
}

</mosaic_0001>

<sc_bundles>
// kernel: _multi_embedding.4.cloned.1.call-start
scs
__scs_entry_jumppad:
0x0: {  	(pc) =	sbr.rel $0x88, $3  }
0x1: {  	(tag) =	ssettag $0x0;
	lr =	simm.s32 $0x1  }
0x2: {  	[smem:$0x3F9F] =	sst lr;
	_ =	strace $0xD0000000  }
0x3: {  	_ = 	snop  }
0x4: {  	_ = 	snop  }
0x5: {  	_ = 	snop  }
0x6: {  	_ = 	snop  }
0x7: {  	_ = 	snop  }
__scs_overlays_trampoline_lowered:
0x8: {  	[smem:$0x3FAE] =	sst s0  }
0x9: {  	[smem:$0x3FAF] =	sst s1  }
0xa: {  	[smem:$0x3FB0] =	sst s2  }
0xb: {  	[smem:$0x3FB1] =	sst s3  }
0xc: {  	[smem:$0x3FB2] =	sst s4  }
0xd: {  	[smem:$0x3FB3] =	sst s5  }
0xe: {  	[smem:$0x3FB4] =	sst s6  }
0xf: {  	[smem:$0x3FB5] =	sst s7  }
0x10: {  	[smem:$0x3FB6] =	sst s8  }
0x11: {  	[smem:$0x3FB7] =	sst s9;
	s0 =	simm.s32 @!p0 $0x0  }
0x12: {  	s1 =	sld [smem:$0x3F9D];
	s0 =	simm.s32 @p0 $0x1  }
0x13: {  	[smem:$0x3FB8] =	sst s0;
	s0 =	simm.s32 @!p1 $0x0  }
0x14: {  	s2 =	sld [smem:$0x3F9C];
	s0 =	simm.s32 @p1 $0x1  }
0x15: {  	[smem:$0x3FB9] =	sst s0;
	s0 =	simm.s32 @!p2 $0x0  }
0x16: {  	s3 =	sld [smem:$0x3FDB];
	s0 =	simm.s32 @p2 $0x1  }
0x17: {  	s4 =	simm.s32 $0x1BF5;
	[smem:$0x3FBB] =	sst s0  }
0x18: {  	s0 =	sld [smem:$0x3F9E];
	_ =	swait.ge [sflag:s4], $0x0  }
0x19: {  	s7 =	sld [smem:$0x3F9F]  }
0x1a: {  	s8 =	sadd.s32 $0xFFFFE003, lr  }
0x1b: {  	s9 =	sadd.s32 $0xFFFFFEF7, lr;
	s5 =	simm.s32 $0xFFFFFFFF;
	p2 =	slt.u32 s8, $0xFFFFF086  }
0x1c: {  	p1 =	slt.u32 s9, $0xF7A;
	s5 =	simm.s32 @!p2 $0x0  }
0x1d: {  	s5 =	simm.s32 @p1 $0x1;
	p0 =	seq.s32 s7, s2  }
0x1e: {  	s7 =	smul.u32 @!p0 $0xF7A, s2;
	p2 =	seq.s32 @!p0 s5, $0x0  }
0x1f: {  	s9 =	smul.u32 $0xF7A, s1;
	s8 =	simm.s32 @!p0 $0x1BF5;
	p2 =	por !p2, p0  }
0x20: {  	[sflag:s8] =	ssyncset.s32 @!p0 $0xFFFFF086;
	s6 =	sadd.s32 @!p0 s3, s7;
	s7 =	simm.s32 @!p0 $0x108  }
0x21: {  	s3 =	sadd.s32 s3, s9;
	s6 =	sadd.s32 @!p0 $0x88, s6;
	s7 =	simm.s32 @p2 $0x1082  }
0x22: {  	[simem:s7], [sflag:s8] =	dma.local @!p0 [hbm:s6], $0xF7A  }
0x23: {  	s9 =	sor.u32 $0xD0000000, s2;
	s6 =	simm.s32 $0x108;
	_ =	swait.ge @!p0 [sflag:s8], $0x0  }
0x24: {  	s3 =	sadd.s32 $0x88, s3;
	s6 =	simm.s32 @!p1 $0x1082;
	[sflag:s4] =	ssyncset.s32 $0xFFFFF086  }
0x25: {  	[simem:s6], [sflag:s4] =	dma.local [hbm:s3], $0xF7A  }
0x26: {  	[smem:$0x3F9F] =	sst s1;
	(tag) =	ssettag s2;
	_ =	strace s9  }
0x27: {  	s1 =	sld [smem:$0x3FAF]  }
0x28: {  	s2 =	sld [smem:$0x3FB0]  }
0x29: {  	s4 =	sld [smem:$0x3FB2]  }
0x2a: {  	p0 =	seq.s32 s5, $0x0;
	s5 =	sld [smem:$0x3FB3]  }
0x2b: {  	s6 =	sld [smem:$0x3FB4]  }
0x2c: {  	s7 =	sld [smem:$0x3FB5]  }
0x2d: {  	s3 =	simm.s32 $0x108;
	s8 =	sld [smem:$0x3FB6]  }
0x2e: {  	s3 =	simm.s32 @!p0 $0x1082;
	s9 =	sld [smem:$0x3FB7]  }
0x2f: {  	lr =	sadd.s32 s0, s3;
	s0 =	sld [smem:$0x3FAE]  }
0x30: {  	s3 =	sld [smem:$0x3FB1]  }
0x31: {  	[smem:$0x3FBA] =	sst s10  }
0x32: {  	s10 =	sld [smem:$0x3FB8];
	_ =	sdelay $0x3  }
0x33: {  	p0 =	seq.s32 s10, $0x1;
	s10 =	sld [smem:$0x3FBA];
	_ =	sdelay $0x3  }
0x34: {  	[smem:$0x3FBA] =	sst s10  }
0x35: {  	s10 =	sld [smem:$0x3FB9];
	_ =	sdelay $0x3  }
0x36: {  	p1 =	seq.s32 s10, $0x1;
	s10 =	sld [smem:$0x3FBA];
	_ =	sdelay $0x3  }
0x37: {  	[smem:$0x3FBA] =	sst s10  }
0x38: {  	s10 =	sld [smem:$0x3FBB]  }
0x39: {  	_ = 	snop;
	(pc) =	sbr.ind lr, $3  }
0x3a: {  	_ = 	snop  }
0x3b: {  	_ = 	snop  }
0x3c: {  	p2 =	seq.s32 s10, $0x1;
	s10 =	sld [smem:$0x3FBA]  }
0x3d: {  	_ =	shalt  }
0x3e: {  	_ =	shalt  }
0x3f: {  	_ =	shalt  }
0x40: {  	_ =	shalt  }
0x41: {  	_ =	shalt  }
0x42: {  	_ =	shalt  }
0x43: {  	_ =	shalt  }
0x44: {  	_ =	shalt  }
0x45: {  	_ =	shalt  }
0x46: {  	_ =	shalt  }
0x47: {  	_ =	shalt  }
0x48: {  	_ =	shalt  }
0x49: {  	_ =	shalt  }
0x4a: {  	_ =	shalt  }
0x4b: {  	_ =	shalt  }
0x4c: {  	_ =	shalt  }
0x4d: {  	_ =	shalt  }
0x4e: {  	_ =	shalt  }
0x4f: {  	_ =	shalt  }
0x50: {  	_ =	shalt  }
0x51: {  	_ =	shalt  }
0x52: {  	_ =	shalt  }
0x53: {  	_ =	shalt  }
0x54: {  	_ =	shalt  }
0x55: {  	_ =	shalt  }
0x56: {  	_ =	shalt  }
0x57: {  	_ =	shalt  }
0x58: {  	_ =	shalt  }
0x59: {  	_ =	shalt  }
0x5a: {  	_ =	shalt  }
0x5b: {  	_ =	shalt  }
0x5c: {  	_ =	shalt  }
0x5d: {  	_ =	shalt  }
0x5e: {  	_ =	shalt  }
0x5f: {  	_ =	shalt  }
0x60: {  	_ =	shalt  }
0x61: {  	_ =	shalt  }
0x62: {  	_ =	shalt  }
0x63: {  	_ =	shalt  }
0x64: {  	_ =	shalt  }
0x65: {  	_ =	shalt  }
0x66: {  	_ =	shalt  }
0x67: {  	_ =	shalt  }
0x68: {  	_ =	shalt  }
0x69: {  	_ =	shalt  }
0x6a: {  	_ =	shalt  }
0x6b: {  	_ =	shalt  }
0x6c: {  	_ =	shalt  }
0x6d: {  	_ =	shalt  }
0x6e: {  	_ =	shalt  }
0x6f: {  	_ =	shalt  }
0x70: {  	_ =	shalt  }
0x71: {  	_ =	shalt  }
0x72: {  	_ =	shalt  }
0x73: {  	_ =	shalt  }
0x74: {  	_ =	shalt  }
0x75: {  	_ =	shalt  }
0x76: {  	_ =	shalt  }
0x77: {  	_ =	shalt  }
0x78: {  	_ =	shalt  }
0x79: {  	_ =	shalt  }
0x7a: {  	_ =	shalt  }
0x7b: {  	_ =	shalt  }
0x7c: {  	_ =	shalt  }
0x7d: {  	_ =	shalt  }
0x7e: {  	_ =	shalt  }
0x7f: {  	_ =	shalt  }
0x80: {  	_ =	shalt  }
0x81: {  	_ =	shalt  }
0x82: {  	_ =	shalt  }
0x83: {  	_ =	shalt  }
0x84: {  	_ =	shalt  }
0x85: {  	_ =	shalt  }
0x86: {  	_ =	shalt  }
0x87: {  	_ =	shalt  }
.Lfunc_end0:
.L_simem_size_0:
called_computation_lowered:
.L_overlay_start_0:
0x88: {  	s2 =	sld [smem:$0x3FD9]  }
0x89: {  	s3 =	sld [smem:$0x3FFE];
	_ =	sdelay $0x1  }
0x8a: {  	s1 =	srdreg.scid  }
0x8b: {  	s0 =	sand.u32 $0x1, s1  }
0x8c: {  	s17 =	sshll.u32 s0, $0xA;
	s2 =	sadd.s32 s3, s2  }
0x8d: {  	s2 =	sadd.s32 s2, s17  }
0x8e: {  	[smem:$0x3FC6] =	sst s2  }
0x8f: {  	_ = 	snop  }
0x90: {  	s2 =	sld [smem:$0x3FC9]  }
0x91: {  	s18 =	sld [smem:$0x3FC8];
	(tm) =	ssettm $0x1  }
0x92: {  	s4 =	sld [smem:$0x3FFB];
	_ =	sdelay $0x3  }
0x93: {  	_ =	strace s4  }
0x94: {  	s4 =	sld [smem:$0x3FFC];
	_ =	sdelay $0x3  }
0x95: {  	_ =	strace s4  }
0x96: {  	s4 =	sld [smem:$0x3FFD];
	_ =	sdelay $0x3  }
0x97: {  	_ =	strace s4  }
0x98: {  	_ =	strace $0x8FFFFFFF  }
0x99: {  	s19 =	sld [smem:$0x3FDB];
	_ =	sdelay $0x1  }
0x9a: {  	s5 =	simm.s32 $_scs_section_size  }
0x9b: {  	s6 =	simm.s32 $_size__tile_overlayer_lowered;
	s7 =	simm.s32 $_tile_overlayer_lowered  }
0x9c: {  	s22 =	simm.s32 $0x1BFF;
	s21 =	sshll.u32 s7, $0x1;
	s4 =	sadd.s32 s5, s19  }
0x9d: {  	s8 =	simm.s32 $0x0;
	s20 =	sshll.u32 s6, $0x1;
	s6 =	sadd.s32 s21, s4  }
0x9e: {  	[timem:s8], [sflag:s22] =	dma.local [hbm:s6], s20  }
0x9f: {  	_ =	swait.ge [sflag:s22], s20  }
0xa0: {  	s5 =	ssub.s32 $0x0, s20;
	[sflag:s22] =	ssyncset.done $0x0  }
0xa1: {  	[sflag:s22] =	ssyncadd.s32 s5;
	_ =	sdelay $0x1  }
0xa2: {  	s23 =	simm.s32 $0x1B8B  }
0xa3: {  	_ =	swait.ge [sflag:s23], $0x1  }
0xa4: {  	[sflag:s23] =	ssyncset.done $0x0  }
0xa5: {  	s25 =	simm.s32 $0x1B8E;
	s24 =	sld [smem:$0x3FFE];
	[sflag:s23] =	ssyncadd.s32 $0xFFFFFFFF  }
0xa6: {  	s26 =	simm.s32 $execute0_lowered;
	[smem:$0x3FD2] =	sst s25  }
0xa7: {  	s6 =	sshll.u32 s26, $0x1;
	_ =	strace $0x80000046;
	[dreg:$0x1] =	wrdreg $0xFFFFFFFF  }
0xa8: {  	s28 =	simm.s32 $_size_execute0_lowered;
	s4 =	sadd.s32 s4, s6;
	[dreg:$0x0] =	wrdreg $0x0  }
0xa9: {  	s6 =	sshll.u32 s28, $0x1;
	[dreg:$0x2] =	wrdreg s4  }
0xaa: {  	[dreg:$0x3] =	wrdreg s6  }
0xab: {  	[dreg:$0x4] =	wrdreg $0xC0  }
0xac: {  	_ =	task [dreg:s8], $0x5FFFF  }
0xad: {  	[dreg:$0x1] =	wrdreg $0xFFFFFFFF  }
0xae: {  	[dreg:$0x0] =	wrdreg $0x60  }
0xaf: {  	[dreg:$0x2] =	wrdreg s2  }
0xb0: {  	[dreg:$0x3] =	wrdreg s18  }
0xb1: {  	[dreg:$0x4] =	wrdreg s24  }
0xb2: {  	[dreg:$0x5] =	wrdreg $0x9  }
0xb3: {  	_ =	task.clear_ibuf [dreg:s8], $0x6FFFF;
	_ =	strace $0x90000046  }
0xb4: {  	s29 =	simm.s32 $0x9;
	_ =	strace $0x80000048  }
0xb5: {  	_ =	swait.ge [sflag:s29], $0x1  }
0xb6: {  	[sflag:s29] =	ssyncadd.s32 $0xFFFFFFFF  }
0xb7: {  	_ =	strace $0x90000048  }
0xb8: {  	_ =	sfence  }
0xb9: {  	s30 =	sld [smem:$0x0];
	_ =	sdelay $0x2  }
0xba: {  	s31 =	sshll.u32 s1, $0xD;
	s1 =	sshrl.u32 s1, $0x2  }
0xbb: {  	s3 =	sand.u32 $0x4000, s31;
	s1 =	sadd.s32 s1, s30  }
0xbc: {  	s0 =	sor.u32 s3, s0;
	s1 =	sshll.u32 s1, $0x11  }
0xbd: {  	s0 =	sor.u32 s1, s0  }
0xbe: {  	s0 =	sadd.s32 $0x8F2B, s0  }
0xbf: {  	[sflag:s0] =	ssyncadd.remote.s32 $0x1  }
0xc0: {  	_ =	sfence.sel $0xFFFF  }
0xc1: {  	[dreg:$0x0] =	wrdreg $0xFFFFFFFF;
	(pc) =	sbr.abs _section_cstart, $3  }
0xc2: {  	[dreg:$0x1] =	wrdreg $0xFFFFFFFF  }
0xc3: {  	_ =	task.clear_ibuf [dreg:s8], $0x2FFFF;
	_ =	strace $0x9FFFFFFF  }
0xc4: {  	(tm) =	ssettm $0x7FFFFFFF  }
0xc5: {  	_ =	shalt  }
tec
execute0_lowered:
.L_overlay_start_1:
0x0: {  	(tag) =	ssettag $0x1  }
0x1: {  	s1 =	rddreg [dreg:$0x0]  }
0x2: {  	s3 =	rddreg [dreg:$0x1]  }
0x3: {  	s0 =	rddreg [dreg:$0x2]  }
0x4: {  	s4 =	srdreg.scid;
	s2 =	stileid.u32;
	s15 =	simm.s32 $0x80  }
0x5: {  	s16 =	simm.s32 $0x400;
	s17 =	simm.s32 $0x1000;
	s18 =	simm.s32 $0x2  }
0x6: {  	s19 =	simm.s32 $0xD380;
	s20 =	simm.s32 $0x19700;
	s21 =	simm.s32 $0x3  }
0x7: {  	s22 =	simm.s32 $0x1A700;
	s23 =	simm.s32 $0x1B700;
	s24 =	simm.s32 $0x1C700  }
0x8: {  	s7 =	sand.u32 $0x1, s4;
	s4 =	simm.s32 $0x0;
	s6 =	sshrl.u32 s2, $0x1  }
0x9: {  	s10 =	sshll.u32 s2, $0x9;
	s0 =	sadd.s32 $0x800, s0;
	s25 =	sshll.u32 s2, $0x2  }
0xa: {  	s26 =	sshll.u32 s2, $0xE;
	s8 =	smul.u32 $0x4F6C000, s7;
	[smem:$0x7FF] =	sst s4  }
0xb: {  	s5 =	smul.u32 $0xC3800, s6;
	s9 =	ssub.s32 $0x2, s7;
	s10 =	sand.u32 $0x200, s10  }
0xc: {  	s12 =	sshll.u32 s7, $0x12;
	s13 =	sshll.u32 s6, $0xF;
	s7 =	smul.u32 $0xD, s7  }
0xd: {  	_ =	strace $0x80000047;
	s11 =	sshrl.u32 s9, $0x1;
	s28 =	sor.u32 s12, s13  }
0xe: {  	s8 =	sadd.s32 s8, s5;
	s14 =	ssub.s32 s9, s11;
	s11 =	sand.u32 $0x38000, s26  }
0xf: {  	s29 =	sor.u32 s10, s28;
	s9 =	sand.u32 $0x4, s25;
	s25 =	simm.s32 $0x1  }
.Ltmp0:
0x10: {  	s8 =	sor.u32 s10, s8;
	s11 =	sor.u32 s12, s11;
	(pc) =	sbr.rel .LBB2_1-.Ltmp0, $4  }
0x11: {  	v0 =	vlaneseq.u32;
	s30 =	sshrl.u32 s29, $0x3;
	s8 =	sshrl.u32 s8, $0x3;
	s10 =	sor.u32 s11, s10  }
0x12: {  	v1 =	vimm.f32 $0.0e+00;
	v2 =	vor.u32 $0x10, v0;
	s14 =	smax.u32 s14, $0x1;
	s6 =	sadd.s32 s3, s8;
	s31 =	sshrl.u32 s10, $0x3  }
0x13: {  	v3 =	vor.u32 $0x20, v0;
	v4 =	vor.u32 $0x30, v0;
	v5 =	vor.u32 $0x40, v0;
	s8 =	sadd.s32 $0x61C00, s5;
	s10 =	sadd.s32 s0, s30;
	s0 =	sadd.s32 s31, s0  }
0x14: {  	v6 =	vor.u32 $0x50, v0;
	v7 =	vor.u32 $0x60, v0;
	v8 =	vor.u32 $0x70, v0;
	s11 =	sadd.s32 $0x10, s0;
	s12 =	sadd.s32 $0x20, s0;
	s13 =	sadd.s32 $0x30, s0  }
.LBB2_11:
0x15: {  	[hbm4b:s10+s15] =	stream.strided.scatter [tilespmem:s20], [sflag:$0x3], $0x1000, s16, s15, $0x38;
	[tilespmem:$0x1D700] =	vst v63  }
0x16: {  	_ =	swait.ge [sflag:s21], $0x1000  }
0x17: {  	[sflag:s21] =	ssyncset.done $0x0  }
0x18: {  	[sflag:s21] =	ssyncadd.s32 $0xFFFFF000  }
0x19: {  	[hbm4b:s11+s15] =	stream.strided.scatter [tilespmem:s22], [sflag:$0x3], $0x1000, s16, s15, $0x38;
	[tilespmem:$0x1D700] =	vst v63  }
0x1a: {  	_ =	swait.ge [sflag:s21], $0x1000  }
0x1b: {  	[sflag:s21] =	ssyncset.done $0x0  }
0x1c: {  	[sflag:s21] =	ssyncadd.s32 $0xFFFFF000  }
0x1d: {  	[hbm4b:s12+s15] =	stream.strided.scatter [tilespmem:s23], [sflag:$0x3], $0x1000, s16, s15, $0x38;
	[tilespmem:$0x1D700] =	vst v63  }
0x1e: {  	s4 =	sadd.s32 $0x1, s4;
	_ =	swait.ge [sflag:s21], $0x1000  }
0x1f: {  	p0 =	sne.s32 s4, s14;
	[sflag:s21] =	ssyncset.done $0x0  }
.Ltmp1:
0x20: {  	[sflag:s21] =	ssyncadd.s32 $0xFFFFF000;
	(pc) =	sbr.rel @!p0 .LBB2_12-.Ltmp1, $4  }
0x21: {  	[hbm4b:s13+s15] =	stream.strided.scatter [tilespmem:s24], [sflag:$0x3], $0x1000, s16, s15, $0x38;
	[tilespmem:$0x1D700] =	vst v63  }
0x22: {  	_ =	swait.ge [sflag:s21], $0x1000  }
0x23: {  	[sflag:s21] =	ssyncset.done $0x0  }
0x24: {  	[sflag:s21] =	ssyncadd.s32 $0xFFFFF000  }
.LBB2_1:
0x25: {  	s0 =	simm.s32 $0x40;
	s26 =	simm.s32 $0x0  }
.LBB2_2:
0x26: {  	p0 =	sne.s32 s0, $0xFFC0;
	[tilespmem:s26+$0x19700] =	vst v1;
	s26 =	smov.u32 s0;
	s0 =	sadd.s32 $0x40, s0  }
.Ltmp2:
0x27: {  	(pc) =	sbr.rel @p0 .LBB2_2-.Ltmp2, $2  }
0x28: {  	_ =	sdelay $0x2  }
0x29: {  	s26 =	sshra.s32 s26, $0x2  }
.Ltmp3:
0x2a: {  	(pc) =	sbr.rel .LBB2_4-.Ltmp3, $3  }
0x2b: {  	_ =	sdelay $0x1  }
0x2c: {  	[tilespmem:s26+$0x19700] =	vst v1;
	s26 =	simm.s32 $0x0;
	s28 =	simm.s32 $0x0  }
0x2d: {  	[tilespmem:s17], [sflag:$0x1] =	stream.strided.gather [hbm4b:s6+s15], $0xC380, s16, s15, $0x38;
	[tilespmem:$0x1D700] =	vst v63  }
.LBB2_10:
0x2e: {  	s28 =	sadd.s32 $0x1, s28  }
0x2f: {  	p0 =	sne.s32 s28, $0x68  }
.Ltmp4:
0x30: {  	_ = 	snop;
	(pc) =	sbr.rel @!p0 .LBB2_11-.Ltmp4, $2  }
0x31: {  	_ =	sdelay $0x2  }
0x32: {  	s26 =	sadd.s32 $0x800, s26  }
.LBB2_4:
0x33: {  	s0 =	sand.u32 $0x7, s28  }
0x34: {  	p0 =	sne.s32 s0, $0x0  }
0x35: {  	s0 =	sshrl.u32 @!p0 s28, $0x3  }
0x36: {  	s0 =	sadd.s32 @!p0 s7, s0  }
0x37: {  	s29 =	sshll.u32 @!p0 s0, $0x4  }
0x38: {  	s0 =	sshll.u32 @!p0 s0, $0x9;
	s29 =	sand.u32 @!p0 $0x70, s29  }
0x39: {  	s30 =	simm.s32 @!p0 $0x400;
	s0 =	sand.u32 @!p0 $0x3000, s0;
	s29 =	sadd.s32 @!p0 s1, s29  }
0x3a: {  	s31 =	simm.s32 @!p0 $0x0;
	s0 =	sadd.s32 @!p0 s0, s29;
	s29 =	simm.s32 @!p0 $0x80  }
0x3b: {  	[tilespmem:s31], [sflag:$0x3] =	stream.strided.gather @!p0 [hbm4b:s0+s29], $0x1000, s30, s29, $0x38;
	[tilespmem:$0x1D700] =	vst v63  }
0x3c: {  	s30 =	sand.u32 $0x1, s28  }
0x3d: {  	p1 =	seq.s32 s30, $0x1  }
.Ltmp5:
0x3e: {  	_ = 	snop;
	(pc) =	sbr.rel @p1 .LBB2_8-.Ltmp5, $4  }
0x3f: {  	s0 =	simm.s32 @!p0 $0x3  }
0x40: {  	_ =	swait.ge @!p0 [sflag:s0], $0x1000  }
0x41: {  	[sflag:s0] =	ssyncset.done @!p0 $0x0  }
0x42: {  	s29 =	sand.u32 $0x3000, s26;
	[sflag:s0] =	ssyncadd.s32 @!p0 $0xFFFFF000  }
0x43: {  	s0 =	sshrl.u32 s28, $0x3  }
0x44: {  	s31 =	sshrl.u32 s28, $0x1;
	s0 =	sadd.s32 s7, s0  }
0x45: {  	s31 =	sand.u32 $0x3, s31;
	s0 =	smul.u32 $0x61C000, s0  }
0x46: {  	s31 =	sor.u32 s9, s31  }
0x47: {  	s31 =	sshll.u32 s31, $0x7;
	s0 =	sadd.s32 s0, s8  }
0x48: {  	s0 =	sor.u32 s31, s0  }
0x49: {  	s0 =	sshrl.u32 s0, $0x3  }
0x4a: {  	s0 =	sadd.s32 s3, s0  }
0x4b: {  	[tilespmem:s19], [sflag:$0x2] =	stream.strided.gather [hbm4b:s0+s15], $0xC380, s16, s15, $0x38;
	[tilespmem:$0x1D700] =	vst v63  }
0x4c: {  	_ =	swait.ge [sflag:s25], $0xC380  }
0x4d: {  	[sflag:s25] =	ssyncset.done $0x0  }
0x4e: {  	s31 =	simm.s32 $0x0;
	s0 =	simm.s32 $0x40;
	[sflag:s25] =	ssyncadd.s32 $0xFFFF3C80  }
.LBB2_6:
0x4f: {  	v9 =	vld [tilespmem:s0+$0xFFFFFFC0];
	_ =	sdelay $0x4  }
0x50: {  	s2 =	sadd.s32 s31, s29;
	vm0 =	vlt.s32 v9, $0xC380  }
0x51: {  	v10 =	vmov s2;
	v9 =	vnsel vm0, $0x0, v9  }
0x52: {  	v10 =	vshrl.u32 v10, $0x7  }
0x53: {  	v10 =	vshll.u32 v10, $0x7  }
0x54: {  	v10 =	vbroadcast v10, $0x0;
	_ =	sdelay $0x1  }
0x55: {  	v11 =	vor.u32 v0, v10;
	v9 =	vld.idx.msk [tilespmem:v9+s17+$0x0], vm0;
	_ =	sdelay $0x4  }
0x56: {  	[tilespmem:v11+s20+$0x0] =	vst.idx.add.f32.msk vm0, v9  }
0x57: {  	v9 =	vld [tilespmem:s0+$0xFFFFFFD0];
	_ =	sdelay $0x4  }
0x58: {  	vm9 =	vlt.s32 v9, $0xC380  }
0x59: {  	v9 =	vnsel vm9, $0x0, v9;
	_ =	sdelay $0x4  }
0x5a: {  	v11 =	vor.u32 v2, v10;
	v9 =	vld.idx.msk [tilespmem:v9+s17+$0x0], vm9;
	_ =	sdelay $0x4  }
0x5b: {  	[tilespmem:v11+s20+$0x0] =	vst.idx.add.f32.msk vm9, v9  }
0x5c: {  	v9 =	vld [tilespmem:s0+$0xFFFFFFE0];
	_ =	sdelay $0x4  }
0x5d: {  	vm10 =	vlt.s32 v9, $0xC380  }
0x5e: {  	v9 =	vnsel vm10, $0x0, v9;
	_ =	sdelay $0x4  }
0x5f: {  	v11 =	vor.u32 v3, v10;
	v9 =	vld.idx.msk [tilespmem:v9+s17+$0x0], vm10;
	_ =	sdelay $0x4  }
0x60: {  	[tilespmem:v11+s20+$0x0] =	vst.idx.add.f32.msk vm10, v9  }
0x61: {  	v9 =	vld [tilespmem:s0+$0xFFFFFFF0];
	_ =	sdelay $0x4  }
0x62: {  	vm11 =	vlt.s32 v9, $0xC380  }
0x63: {  	v9 =	vnsel vm11, $0x0, v9;
	_ =	sdelay $0x4  }
0x64: {  	v11 =	vor.u32 v4, v10;
	v9 =	vld.idx.msk [tilespmem:v9+s17+$0x0], vm11;
	_ =	sdelay $0x4  }
0x65: {  	[tilespmem:v11+s20+$0x0] =	vst.idx.add.f32.msk vm11, v9  }
0x66: {  	v9 =	vld [tilespmem:s0+$0x0];
	_ =	sdelay $0x4  }
0x67: {  	vm12 =	vlt.s32 v9, $0xC380  }
0x68: {  	v9 =	vnsel vm12, $0x0, v9;
	_ =	sdelay $0x4  }
0x69: {  	v11 =	vor.u32 v5, v10;
	v9 =	vld.idx.msk [tilespmem:v9+s17+$0x0], vm12;
	_ =	sdelay $0x4  }
0x6a: {  	[tilespmem:v11+s20+$0x0] =	vst.idx.add.f32.msk vm12, v9  }
0x6b: {  	v9 =	vld [tilespmem:s0+$0x10];
	_ =	sdelay $0x4  }
0x6c: {  	vm13 =	vlt.s32 v9, $0xC380  }
0x6d: {  	v9 =	vnsel vm13, $0x0, v9;
	_ =	sdelay $0x4  }
0x6e: {  	v11 =	vor.u32 v6, v10;
	v9 =	vld.idx.msk [tilespmem:v9+s17+$0x0], vm13;
	_ =	sdelay $0x4  }
0x6f: {  	[tilespmem:v11+s20+$0x0] =	vst.idx.add.f32.msk vm13, v9  }
0x70: {  	v9 =	vld [tilespmem:s0+$0x20];
	_ =	sdelay $0x4  }
0x71: {  	vm14 =	vlt.s32 v9, $0xC380  }
0x72: {  	v9 =	vnsel vm14, $0x0, v9;
	_ =	sdelay $0x4  }
0x73: {  	v11 =	vor.u32 v7, v10;
	v9 =	vld.idx.msk [tilespmem:v9+s17+$0x0], vm14;
	_ =	sdelay $0x4  }
0x74: {  	[tilespmem:v11+s20+$0x0] =	vst.idx.add.f32.msk vm14, v9  }
0x75: {  	v9 =	vld [tilespmem:s0+$0x30];
	_ =	sdelay $0x4  }
0x76: {  	vm15 =	vlt.s32 v9, $0xC380  }
0x77: {  	v9 =	vnsel vm15, $0x0, v9;
	_ =	sdelay $0x4  }
0x78: {  	p0 =	sne.s32 s31, $0xF80;
	v10 =	vor.u32 v8, v10;
	v9 =	vld.idx.msk [tilespmem:v9+s17+$0x0], vm15  }
.Ltmp6:
0x79: {  	_ = 	snop;
	(pc) =	sbr.rel @p0 .LBB2_6-.Ltmp6, $2  }
0x7a: {  	_ =	sdelay $0x2  }
0x7b: {  	s31 =	sadd.s32 $0x80, s31;
	s0 =	sadd.s32 $0x80, s0;
	[tilespmem:v10+s20+$0x0] =	vst.idx.add.f32.msk vm15, v9  }
0x7c: {  	p0 =	seq.s32 s30, $0x0  }
.Ltmp7:
0x7d: {  	_ = 	snop;
	(pc) =	sbr.rel @p0 .LBB2_10-.Ltmp7, $1  }
0x7e: {  	_ =	sdelay $0x3  }
.LBB2_8:
0x7f: {  	p0 =	seq.s32 s28, $0x67  }
0x80: {  	s0 =	sadd.s32 @!p0 $0x1, s28  }
0x81: {  	s2 =	sshrl.u32 @!p0 s0, $0x3  }
0x82: {  	s0 =	sshrl.u32 @!p0 s0, $0x1;
	s2 =	sadd.s32 @!p0 s7, s2  }
0x83: {  	s0 =	sand.u32 @!p0 $0x3, s0;
	s2 =	smul.u32 @!p0 $0x61C000, s2  }
0x84: {  	s0 =	sor.u32 @!p0 s9, s0  }
0x85: {  	s0 =	sshll.u32 @!p0 s0, $0x7;
	s2 =	sadd.s32 @!p0 s5, s2  }
0x86: {  	s0 =	sor.u32 @!p0 s0, s2  }
0x87: {  	s30 =	simm.s32 @!p0 $0x400;
	s0 =	sshrl.u32 @!p0 s0, $0x3  }
0x88: {  	s31 =	simm.s32 @!p0 $0x1000;
	s2 =	simm.s32 @!p0 $0x80;
	s0 =	sadd.s32 @!p0 s3, s0  }
0x89: {  	[tilespmem:s31], [sflag:$0x1] =	stream.strided.gather @!p0 [hbm4b:s0+s2], $0xC380, s30, s2, $0x38;
	[tilespmem:$0x1D700] =	vst v63  }
0x8a: {  	_ =	swait.ge [sflag:s18], $0xC380  }
0x8b: {  	[sflag:s18] =	ssyncset.done $0x0  }
0x8c: {  	s30 =	simm.s32 $0x0;
	s31 =	simm.s32 $0x40;
	[sflag:s18] =	ssyncadd.s32 $0xFFFF3C80  }
.LBB2_9:
0x8d: {  	v9 =	vld [tilespmem:s31+$0xFFFFFFC0];
	_ =	sdelay $0x4  }
0x8e: {  	vm0 =	vgt.s32 v9, $0xC380  }
0x8f: {  	s0 =	sadd.s32 s30, s29;
	vm1 =	vgt.s32 v9, $0xC37F;
	v9 =	vnsel vm0, $0xC380, v9  }
0x90: {  	v10 =	vmov s0;
	v9 =	vadd.s32 $0xFFFF3C80, v9  }
0x91: {  	v10 =	vshrl.u32 v10, $0x7  }
0x92: {  	v10 =	vshll.u32 v10, $0x7  }
0x93: {  	v10 =	vbroadcast v10, $0x0;
	_ =	sdelay $0x1  }
0x94: {  	v11 =	vor.u32 v0, v10;
	v9 =	vld.idx.msk [tilespmem:v9+s19+$0x0], vm1;
	_ =	sdelay $0x4  }
0x95: {  	[tilespmem:v11+s20+$0x0] =	vst.idx.add.f32.msk vm1, v9  }
0x96: {  	v9 =	vld [tilespmem:s31+$0xFFFFFFD0];
	_ =	sdelay $0x4  }
0x97: {  	vm14 =	vgt.s32 v9, $0xC380  }
0x98: {  	vm15 =	vgt.s32 v9, $0xC37F;
	v9 =	vnsel vm14, $0xC380, v9  }
0x99: {  	v9 =	vadd.s32 $0xFFFF3C80, v9;
	_ =	sdelay $0x4  }
0x9a: {  	v11 =	vor.u32 v2, v10;
	v9 =	vld.idx.msk [tilespmem:v9+s19+$0x0], vm15;
	_ =	sdelay $0x4  }
0x9b: {  	[tilespmem:v11+s20+$0x0] =	vst.idx.add.f32.msk vm15, v9  }
0x9c: {  	v9 =	vld [tilespmem:s31+$0xFFFFFFE0];
	_ =	sdelay $0x4  }
0x9d: {  	vm4 =	vgt.s32 v9, $0xC380  }
0x9e: {  	vm5 =	vgt.s32 v9, $0xC37F;
	v9 =	vnsel vm4, $0xC380, v9  }
0x9f: {  	v9 =	vadd.s32 $0xFFFF3C80, v9;
	_ =	sdelay $0x4  }
0xa0: {  	v11 =	vor.u32 v3, v10;
	v9 =	vld.idx.msk [tilespmem:v9+s19+$0x0], vm5;
	_ =	sdelay $0x4  }
0xa1: {  	[tilespmem:v11+s20+$0x0] =	vst.idx.add.f32.msk vm5, v9  }
0xa2: {  	v9 =	vld [tilespmem:s31+$0xFFFFFFF0];
	_ =	sdelay $0x4  }
0xa3: {  	vm6 =	vgt.s32 v9, $0xC380  }
0xa4: {  	vm7 =	vgt.s32 v9, $0xC37F;
	v9 =	vnsel vm6, $0xC380, v9  }
0xa5: {  	v9 =	vadd.s32 $0xFFFF3C80, v9;
	_ =	sdelay $0x4  }
0xa6: {  	v11 =	vor.u32 v4, v10;
	v9 =	vld.idx.msk [tilespmem:v9+s19+$0x0], vm7;
	_ =	sdelay $0x4  }
0xa7: {  	[tilespmem:v11+s20+$0x0] =	vst.idx.add.f32.msk vm7, v9  }
0xa8: {  	v9 =	vld [tilespmem:s31+$0x0];
	_ =	sdelay $0x4  }
0xa9: {  	vm8 =	vgt.s32 v9, $0xC380  }
0xaa: {  	vm9 =	vgt.s32 v9, $0xC37F;
	v9 =	vnsel vm8, $0xC380, v9  }
0xab: {  	v9 =	vadd.s32 $0xFFFF3C80, v9;
	_ =	sdelay $0x4  }
0xac: {  	v11 =	vor.u32 v5, v10;
	v9 =	vld.idx.msk [tilespmem:v9+s19+$0x0], vm9;
	_ =	sdelay $0x4  }
0xad: {  	[tilespmem:v11+s20+$0x0] =	vst.idx.add.f32.msk vm9, v9  }
0xae: {  	v9 =	vld [tilespmem:s31+$0x10];
	_ =	sdelay $0x4  }
0xaf: {  	vm10 =	vgt.s32 v9, $0xC380  }
0xb0: {  	vm11 =	vgt.s32 v9, $0xC37F;
	v9 =	vnsel vm10, $0xC380, v9  }
0xb1: {  	v9 =	vadd.s32 $0xFFFF3C80, v9;
	_ =	sdelay $0x4  }
0xb2: {  	v11 =	vor.u32 v6, v10;
	v9 =	vld.idx.msk [tilespmem:v9+s19+$0x0], vm11;
	_ =	sdelay $0x4  }
0xb3: {  	[tilespmem:v11+s20+$0x0] =	vst.idx.add.f32.msk vm11, v9  }
0xb4: {  	v9 =	vld [tilespmem:s31+$0x20];
	_ =	sdelay $0x4  }
0xb5: {  	vm12 =	vgt.s32 v9, $0xC380  }
0xb6: {  	vm13 =	vgt.s32 v9, $0xC37F;
	v9 =	vnsel vm12, $0xC380, v9  }
0xb7: {  	v9 =	vadd.s32 $0xFFFF3C80, v9;
	_ =	sdelay $0x4  }
0xb8: {  	v11 =	vor.u32 v7, v10;
	v9 =	vld.idx.msk [tilespmem:v9+s19+$0x0], vm13;
	_ =	sdelay $0x4  }
0xb9: {  	[tilespmem:v11+s20+$0x0] =	vst.idx.add.f32.msk vm13, v9  }
0xba: {  	v9 =	vld [tilespmem:s31+$0x30];
	_ =	sdelay $0x4  }
0xbb: {  	vm14 =	vgt.s32 v9, $0xC380  }
0xbc: {  	vm15 =	vgt.s32 v9, $0xC37F;
	v9 =	vnsel vm14, $0xC380, v9  }
0xbd: {  	v9 =	vadd.s32 $0xFFFF3C80, v9;
	_ =	sdelay $0x4  }
0xbe: {  	p0 =	sne.s32 s30, $0xF80;
	v10 =	vor.u32 v8, v10;
	v9 =	vld.idx.msk [tilespmem:v9+s19+$0x0], vm15  }
.Ltmp8:
0xbf: {  	_ = 	snop;
	(pc) =	sbr.rel @p0 .LBB2_9-.Ltmp8, $2  }
0xc0: {  	_ =	sdelay $0x2  }
0xc1: {  	s30 =	sadd.s32 $0x80, s30;
	s31 =	sadd.s32 $0x80, s31;
	[tilespmem:v10+s20+$0x0] =	vst.idx.add.f32.msk vm15, v9  }
.Ltmp9:
0xc2: {  	_ = 	snop;
	(pc) =	sbr.rel .LBB2_10-.Ltmp9, $1  }
0xc3: {  	_ =	sdelay $0x3  }
.LBB2_12:
0xc4: {  	_ =	sfence.sel $0x180000  }
0xc5: {  	[bflag:$0x0] =	sbarrier.arrive $0xFFFF  }
0xc6: {  	_ =	strace $0x90000047  }
0xc7: {  	s0 =	stileid.u32;
	[bflag:$0x2] =	sbarrier.arrive $0xFFFF  }
0xc8: {  	p0 =	sne.s32 s0, $0x0;
	s0 =	rddreg [dreg:$0x3]  }
0xc9: {  	s0 =	sadd.s32 @!p0 $0x100000, s0  }
0xca: {  	[sflag:s0] =	ssyncadd.tile.s32 @!p0 $0x1;
	_ =	shalt  }
.Lfunc_end2:
_tile_overlayer_lowered:
.L_overlay_start_2:
0xcb: {  	(tag) =	ssettag $0x2  }
0xcc: {  	s0 =	rddreg [dreg:$0x0];
	s2 =	stileid.u32  }
0xcd: {  	s1 =	rddreg [dreg:$0x1];
	p0 =	sne.s32 s2, $0x0  }
0xce: {  	s3 =	rddreg [dreg:$0x2];
	[bflag:$0x3] =	sbarrier.arrive $0xFFFF;
	s2 =	simm.s32 @!p0 $0x1C03  }
0xcf: {  	[timem:s3], [sflag:s2] =	dma.local @!p0 [hbm:s0], s1  }
0xd0: {  	s0 =	simm.s32 @!p0 $0x3  }
0xd1: {  	_ =	swait.ge @!p0 [sflag:s0], s1  }
0xd2: {  	s1 =	ssub.s32 @!p0 $0x0, s1;
	[sflag:s0] =	ssyncset.done @!p0 $0x0  }
0xd3: {  	[sflag:s0] =	ssyncadd.s32 @!p0 s1  }
0xd4: {  	[bflag:$0x3] =	sbarrier.arrive $0xFFFF  }
0xd5: {  	_ =	shalt  }

// kernel: _multi_embedding.7.cloned.1.call-start
scs
__scs_entry_jumppad:
0x0: {  	(pc) =	sbr.rel $0x88, $3  }
0x1: {  	(tag) =	ssettag $0x0;
	lr =	simm.s32 $0x1  }
0x2: {  	[smem:$0x3F9F] =	sst lr;
	_ =	strace $0xD0000000  }
0x3: {  	_ = 	snop  }
0x4: {  	_ = 	snop  }
0x5: {  	_ = 	snop  }
0x6: {  	_ = 	snop  }
0x7: {  	_ = 	snop  }
__scs_overlays_trampoline_lowered:
0x8: {  	[smem:$0x3FAE] =	sst s0  }
0x9: {  	[smem:$0x3FAF] =	sst s1  }
0xa: {  	[smem:$0x3FB0] =	sst s2  }
0xb: {  	[smem:$0x3FB1] =	sst s3  }
0xc: {  	[smem:$0x3FB2] =	sst s4  }
0xd: {  	[smem:$0x3FB3] =	sst s5  }
0xe: {  	[smem:$0x3FB4] =	sst s6  }
0xf: {  	[smem:$0x3FB5] =	sst s7  }
0x10: {  	[smem:$0x3FB6] =	sst s8  }
0x11: {  	[smem:$0x3FB7] =	sst s9;
	s0 =	simm.s32 @!p0 $0x0  }
0x12: {  	s1 =	sld [smem:$0x3F9D];
	s0 =	simm.s32 @p0 $0x1  }
0x13: {  	[smem:$0x3FB8] =	sst s0;
	s0 =	simm.s32 @!p1 $0x0  }
0x14: {  	s2 =	sld [smem:$0x3F9C];
	s0 =	simm.s32 @p1 $0x1  }
0x15: {  	[smem:$0x3FB9] =	sst s0;
	s0 =	simm.s32 @!p2 $0x0  }
0x16: {  	s3 =	sld [smem:$0x3FDB];
	s0 =	simm.s32 @p2 $0x1  }
0x17: {  	s4 =	simm.s32 $0x1BF5;
	[smem:$0x3FBB] =	sst s0  }
0x18: {  	s0 =	sld [smem:$0x3F9E];
	_ =	swait.ge [sflag:s4], $0x0  }
0x19: {  	s7 =	sld [smem:$0x3F9F]  }
0x1a: {  	s8 =	sadd.s32 $0xFFFFE003, lr  }
0x1b: {  	s9 =	sadd.s32 $0xFFFFFEF7, lr;
	s5 =	simm.s32 $0xFFFFFFFF;
	p2 =	slt.u32 s8, $0xFFFFF086  }
0x1c: {  	p1 =	slt.u32 s9, $0xF7A;
	s5 =	simm.s32 @!p2 $0x0  }
0x1d: {  	s5 =	simm.s32 @p1 $0x1;
	p0 =	seq.s32 s7, s2  }
0x1e: {  	s7 =	smul.u32 @!p0 $0xF7A, s2;
	p2 =	seq.s32 @!p0 s5, $0x0  }
0x1f: {  	s9 =	smul.u32 $0xF7A, s1;
	s8 =	simm.s32 @!p0 $0x1BF5;
	p2 =	por !p2, p0  }
0x20: {  	[sflag:s8] =	ssyncset.s32 @!p0 $0xFFFFF086;
	s6 =	sadd.s32 @!p0 s3, s7;
	s7 =	simm.s32 @!p0 $0x108  }
0x21: {  	s3 =	sadd.s32 s3, s9;
	s6 =	sadd.s32 @!p0 $0x88, s6;
	s7 =	simm.s32 @p2 $0x1082  }
0x22: {  	[simem:s7], [sflag:s8] =	dma.local @!p0 [hbm:s6], $0xF7A  }
0x23: {  	s9 =	sor.u32 $0xD0000000, s2;
	s6 =	simm.s32 $0x108;
	_ =	swait.ge @!p0 [sflag:s8], $0x0  }
0x24: {  	s3 =	sadd.s32 $0x88, s3;
	s6 =	simm.s32 @!p1 $0x1082;
	[sflag:s4] =	ssyncset.s32 $0xFFFFF086  }
0x25: {  	[simem:s6], [sflag:s4] =	dma.local [hbm:s3], $0xF7A  }
0x26: {  	[smem:$0x3F9F] =	sst s1;
	(tag) =	ssettag s2;
	_ =	strace s9  }
0x27: {  	s1 =	sld [smem:$0x3FAF]  }
0x28: {  	s2 =	sld [smem:$0x3FB0]  }
0x29: {  	s4 =	sld [smem:$0x3FB2]  }
0x2a: {  	p0 =	seq.s32 s5, $0x0;
	s5 =	sld [smem:$0x3FB3]  }
0x2b: {  	s6 =	sld [smem:$0x3FB4]  }
0x2c: {  	s7 =	sld [smem:$0x3FB5]  }
0x2d: {  	s3 =	simm.s32 $0x108;
	s8 =	sld [smem:$0x3FB6]  }
0x2e: {  	s3 =	simm.s32 @!p0 $0x1082;
	s9 =	sld [smem:$0x3FB7]  }
0x2f: {  	lr =	sadd.s32 s0, s3;
	s0 =	sld [smem:$0x3FAE]  }
0x30: {  	s3 =	sld [smem:$0x3FB1]  }
0x31: {  	[smem:$0x3FBA] =	sst s10  }
0x32: {  	s10 =	sld [smem:$0x3FB8];
	_ =	sdelay $0x3  }
0x33: {  	p0 =	seq.s32 s10, $0x1;
	s10 =	sld [smem:$0x3FBA];
	_ =	sdelay $0x3  }
0x34: {  	[smem:$0x3FBA] =	sst s10  }
0x35: {  	s10 =	sld [smem:$0x3FB9];
	_ =	sdelay $0x3  }
0x36: {  	p1 =	seq.s32 s10, $0x1;
	s10 =	sld [smem:$0x3FBA];
	_ =	sdelay $0x3  }
0x37: {  	[smem:$0x3FBA] =	sst s10  }
0x38: {  	s10 =	sld [smem:$0x3FBB]  }
0x39: {  	_ = 	snop;
	(pc) =	sbr.ind lr, $3  }
0x3a: {  	_ = 	snop  }
0x3b: {  	_ = 	snop  }
0x3c: {  	p2 =	seq.s32 s10, $0x1;
	s10 =	sld [smem:$0x3FBA]  }
0x3d: {  	_ =	shalt  }
0x3e: {  	_ =	shalt  }
0x3f: {  	_ =	shalt  }
0x40: {  	_ =	shalt  }
0x41: {  	_ =	shalt  }
0x42: {  	_ =	shalt  }
0x43: {  	_ =	shalt  }
0x44: {  	_ =	shalt  }
0x45: {  	_ =	shalt  }
0x46: {  	_ =	shalt  }
0x47: {  	_ =	shalt  }
0x48: {  	_ =	shalt  }
0x49: {  	_ =	shalt  }
0x4a: {  	_ =	shalt  }
0x4b: {  	_ =	shalt  }
0x4c: {  	_ =	shalt  }
0x4d: {  	_ =	shalt  }
0x4e: {  	_ =	shalt  }
0x4f: {  	_ =	shalt  }
0x50: {  	_ =	shalt  }
0x51: {  	_ =	shalt  }
0x52: {  	_ =	shalt  }
0x53: {  	_ =	shalt  }
0x54: {  	_ =	shalt  }
0x55: {  	_ =	shalt  }
0x56: {  	_ =	shalt  }
0x57: {  	_ =	shalt  }
0x58: {  	_ =	shalt  }
0x59: {  	_ =	shalt  }
0x5a: {  	_ =	shalt  }
0x5b: {  	_ =	shalt  }
0x5c: {  	_ =	shalt  }
0x5d: {  	_ =	shalt  }
0x5e: {  	_ =	shalt  }
0x5f: {  	_ =	shalt  }
0x60: {  	_ =	shalt  }
0x61: {  	_ =	shalt  }
0x62: {  	_ =	shalt  }
0x63: {  	_ =	shalt  }
0x64: {  	_ =	shalt  }
0x65: {  	_ =	shalt  }
0x66: {  	_ =	shalt  }
0x67: {  	_ =	shalt  }
0x68: {  	_ =	shalt  }
0x69: {  	_ =	shalt  }
0x6a: {  	_ =	shalt  }
0x6b: {  	_ =	shalt  }
0x6c: {  	_ =	shalt  }
0x6d: {  	_ =	shalt  }
0x6e: {  	_ =	shalt  }
0x6f: {  	_ =	shalt  }
0x70: {  	_ =	shalt  }
0x71: {  	_ =	shalt  }
0x72: {  	_ =	shalt  }
0x73: {  	_ =	shalt  }
0x74: {  	_ =	shalt  }
0x75: {  	_ =	shalt  }
0x76: {  	_ =	shalt  }
0x77: {  	_ =	shalt  }
0x78: {  	_ =	shalt  }
0x79: {  	_ =	shalt  }
0x7a: {  	_ =	shalt  }
0x7b: {  	_ =	shalt  }
0x7c: {  	_ =	shalt  }
0x7d: {  	_ =	shalt  }
0x7e: {  	_ =	shalt  }
0x7f: {  	_ =	shalt  }
0x80: {  	_ =	shalt  }
0x81: {  	_ =	shalt  }
0x82: {  	_ =	shalt  }
0x83: {  	_ =	shalt  }
0x84: {  	_ =	shalt  }
0x85: {  	_ =	shalt  }
0x86: {  	_ =	shalt  }
0x87: {  	_ =	shalt  }
.Lfunc_end0:
.L_simem_size_0:
called_computation.1_lowered:
.L_overlay_start_0:
0x88: {  	s2 =	sld [smem:$0x3FD9]  }
0x89: {  	s3 =	sld [smem:$0x3FFE];
	_ =	sdelay $0x1  }
0x8a: {  	s1 =	srdreg.scid  }
0x8b: {  	s0 =	sand.u32 $0x1, s1  }
0x8c: {  	s17 =	sshll.u32 s0, $0xA;
	s2 =	sadd.s32 s3, s2  }
0x8d: {  	s2 =	sadd.s32 s2, s17  }
0x8e: {  	[smem:$0x3FC6] =	sst s2  }
0x8f: {  	_ = 	snop  }
0x90: {  	s2 =	sld [smem:$0x3FD0];
	(tm) =	ssettm $0x1  }
0x91: {  	s18 =	sld [smem:$0x3FFB];
	_ =	sdelay $0x3  }
0x92: {  	_ =	strace s18  }
0x93: {  	s3 =	sld [smem:$0x3FFC];
	_ =	sdelay $0x3  }
0x94: {  	_ =	strace s3  }
0x95: {  	s3 =	sld [smem:$0x3FFD];
	_ =	sdelay $0x3  }
0x96: {  	_ =	strace s3  }
0x97: {  	_ =	strace $0x8FFFFFFF  }
0x98: {  	s19 =	sld [smem:$0x3FDB];
	_ =	sdelay $0x1  }
0x99: {  	s4 =	simm.s32 $_scs_section_size  }
0x9a: {  	s5 =	simm.s32 $_size__tile_overlayer_lowered;
	s6 =	simm.s32 $_tile_overlayer_lowered  }
0x9b: {  	s22 =	simm.s32 $0x1BFF;
	s21 =	sshll.u32 s6, $0x1;
	s3 =	sadd.s32 s4, s19  }
0x9c: {  	s7 =	simm.s32 $0x0;
	s20 =	sshll.u32 s5, $0x1;
	s5 =	sadd.s32 s21, s3  }
0x9d: {  	[timem:s7], [sflag:s22] =	dma.local [hbm:s5], s20  }
0x9e: {  	_ =	swait.ge [sflag:s22], s20  }
0x9f: {  	s4 =	ssub.s32 $0x0, s20;
	[sflag:s22] =	ssyncset.done $0x0  }
0xa0: {  	[sflag:s22] =	ssyncadd.s32 s4;
	_ =	sdelay $0x1  }
0xa1: {  	s23 =	simm.s32 $0x1B8B  }
0xa2: {  	_ =	swait.ge [sflag:s23], $0x1  }
0xa3: {  	[sflag:s23] =	ssyncset.done $0x0  }
0xa4: {  	s25 =	simm.s32 $0x1B8E;
	s24 =	sld [smem:$0x3FFE];
	[sflag:s23] =	ssyncadd.s32 $0xFFFFFFFF  }
0xa5: {  	s26 =	simm.s32 $execute0_lowered;
	[smem:$0x3FD2] =	sst s25  }
0xa6: {  	s5 =	sshll.u32 s26, $0x1;
	_ =	strace $0x80000049;
	[dreg:$0x1] =	wrdreg $0xFFFFFFFF  }
0xa7: {  	s28 =	simm.s32 $_size_execute0_lowered;
	s3 =	sadd.s32 s3, s5;
	[dreg:$0x0] =	wrdreg $0x0  }
0xa8: {  	s5 =	sshll.u32 s28, $0x1;
	[dreg:$0x2] =	wrdreg s3  }
0xa9: {  	[dreg:$0x3] =	wrdreg s5  }
0xaa: {  	[dreg:$0x4] =	wrdreg $0xC0  }
0xab: {  	_ =	task [dreg:s7], $0x5FFFF  }
0xac: {  	[dreg:$0x1] =	wrdreg $0xFFFFFFFF  }
0xad: {  	[dreg:$0x0] =	wrdreg $0x60  }
0xae: {  	[dreg:$0x2] =	wrdreg s24  }
0xaf: {  	[dreg:$0x3] =	wrdreg s2  }
0xb0: {  	[dreg:$0x4] =	wrdreg $0x9  }
0xb1: {  	_ =	task.clear_ibuf [dreg:s7], $0x5FFFF;
	_ =	strace $0x90000049  }
0xb2: {  	s29 =	simm.s32 $0x9;
	_ =	strace $0x8000004B  }
0xb3: {  	_ =	swait.ge [sflag:s29], $0x1  }
0xb4: {  	[sflag:s29] =	ssyncadd.s32 $0xFFFFFFFF  }
0xb5: {  	_ =	strace $0x9000004B  }
0xb6: {  	_ =	sfence  }
0xb7: {  	s30 =	sld [smem:$0x0];
	_ =	sdelay $0x2  }
0xb8: {  	s31 =	sshll.u32 s1, $0xD;
	s1 =	sshrl.u32 s1, $0x2  }
0xb9: {  	s3 =	sand.u32 $0x4000, s31;
	s1 =	sadd.s32 s1, s30  }
0xba: {  	s0 =	sor.u32 s3, s0;
	s1 =	sshll.u32 s1, $0x11  }
0xbb: {  	s0 =	sor.u32 s1, s0  }
0xbc: {  	s0 =	sadd.s32 $0x8F2B, s0  }
0xbd: {  	[sflag:s0] =	ssyncadd.remote.s32 $0x1  }
0xbe: {  	_ =	sfence.sel $0xFFFF  }
0xbf: {  	[dreg:$0x0] =	wrdreg $0xFFFFFFFF;
	(pc) =	sbr.abs _section_cstart, $3  }
0xc0: {  	[dreg:$0x1] =	wrdreg $0xFFFFFFFF  }
0xc1: {  	_ =	task.clear_ibuf [dreg:s7], $0x2FFFF;
	_ =	strace $0x9FFFFFFF  }
0xc2: {  	(tm) =	ssettm $0x7FFFFFFF  }
0xc3: {  	_ =	shalt  }
tec
execute0_lowered:
.L_overlay_start_1:
0x0: {  	(tag) =	ssettag $0x1  }
0x1: {  	s3 =	rddreg [dreg:$0x0];
	s0 =	srdreg.scid  }
0x2: {  	s5 =	rddreg [dreg:$0x1];
	s1 =	stileid.u32;
	s2 =	simm.s32 $0x0  }
0x3: {  	s9 =	simm.s32 $0x1;
	s10 =	simm.s32 $0x2000;
	s11 =	simm.s32 $0x4000  }
0x4: {  	s12 =	simm.s32 $0x0;
	s4 =	sand.u32 $0x1, s0;
	s0 =	rddreg [dreg:$0x2]  }
0x5: {  	s6 =	sshll.u32 s1, $0x8;
	s7 =	sshll.u32 s4, $0x7;
	s4 =	ssub.s32 $0x2, s4  }
0x6: {  	[smem:$0x7FF] =	sst s2;
	s6 =	sor.u32 s7, s6;
	s31 =	sshrl.u32 s4, $0x1  }
0x7: {  	_ =	strace $0x8000004A;
	s7 =	sadd.s32 s6, s3;
	s8 =	ssub.s32 s4, s31  }
0x8: {  	s5 =	sadd.s32 s5, s6;
	s3 =	sadd.s32 $0x800, s7;
	s4 =	sadd.s32 $0x8800, s7  }
0x9: {  	s6 =	smax.u32 s8, $0x1;
	s7 =	simm.s32 $0x400;
	s8 =	simm.s32 $0x8000  }
.LBB2_1:
0xa: {  	[tilespmem:s2], [sflag:$0x1] =	stream.strided.gather [hbm4b:s3+s7], $0x2000, s8, s7, $0x38;
	[tilespmem:$0x6000] =	vst v63  }
0xb: {  	_ =	swait.ge [sflag:s9], $0x2000  }
0xc: {  	[sflag:s9] =	ssyncset.done $0x0  }
0xd: {  	[sflag:s9] =	ssyncadd.s32 $0xFFFFE000  }
0xe: {  	[tilespmem:s10], [sflag:$0x1] =	stream.strided.gather [hbm4b:s4+s7], $0x2000, s8, s7, $0x38;
	[tilespmem:$0x6000] =	vst v63  }
0xf: {  	_ =	swait.ge [sflag:s9], $0x2000  }
0x10: {  	[sflag:s9] =	ssyncset.done $0x0  }
0x11: {  	s13 =	simm.s32 $0x0;
	[sflag:s9] =	ssyncadd.s32 $0xFFFFE000  }
0x12: {  	v0 =	vld [tilespmem:s13+$0x70]  }
0x13: {  	v1 =	vld [tilespmem:s13+$0x2070]  }
0x14: {  	v2 =	vld [tilespmem:s13+$0x0]  }
0x15: {  	v3 =	vld [tilespmem:s13+$0x2000]  }
0x16: {  	v4 =	vld [tilespmem:s13+$0x10]  }
0x17: {  	v5 =	vld [tilespmem:s13+$0x2010]  }
0x18: {  	v6 =	vld [tilespmem:s13+$0x20]  }
0x19: {  	v0 =	vadd.f32 v1, v0;
	v1 =	vld [tilespmem:s13+$0x2020]  }
0x1a: {  	v7 =	vld [tilespmem:s13+$0x30]  }
0x1b: {  	v8 =	vld [tilespmem:s13+$0x2030];
	v2 =	vadd.f32 v3, v2;
	v0 =	vmul.f32 $3.846153990e-02, v0  }
0x1c: {  	v9 =	vld [tilespmem:s13+$0x40]  }
0x1d: {  	v10 =	vld [tilespmem:s13+$0x2040];
	v2 =	vmul.f32 $3.846153990e-02, v2;
	[tilespmem:s13+$0x4070] =	vst v0;
	v0 =	vadd.f32 v5, v4  }
0x1e: {  	v3 =	vld [tilespmem:s13+$0x2050];
	v1 =	vadd.f32 v1, v6  }
0x1f: {  	[tilespmem:s13+$0x4000] =	vst v2;
	v2 =	vld [tilespmem:s13+$0x50];
	v0 =	vmul.f32 $3.846153990e-02, v0  }
0x20: {  	v4 =	vld [tilespmem:s13+$0x2060];
	v6 =	vadd.f32 v8, v7;
	v5 =	vmul.f32 $3.846153990e-02, v1  }
0x21: {  	s14 =	simm.s32 $0x80;
	[tilespmem:s13+$0x4010] =	vst v0;
	v0 =	vld [tilespmem:s13+$0x60]  }
0x22: {  	s15 =	simm.s32 $0x400;
	v1 =	vld [tilespmem:s14+$0x70];
	[tilespmem:s13+$0x4020] =	vst v5;
	v5 =	vmul.f32 $3.846153990e-02, v6;
	v6 =	vadd.f32 v10, v9  }
.LBB2_2:
0x23: {  	p0 =	sne.s32 s15, $0x7E00;
	v7 =	vld [tilespmem:s14+$0x2070]  }
0x24: {  	v8 =	vld [tilespmem:s14+$0x0];
	[tilespmem:s13+$0x4030] =	vst v5;
	v5 =	vmul.f32 $3.846153990e-02, v6;
	v2 =	vadd.f32 v3, v2  }
0x25: {  	v3 =	vld [tilespmem:s14+$0x2000]  }
0x26: {  	v6 =	vld [tilespmem:s14+$0x10];
	[tilespmem:s13+$0x4040] =	vst v5;
	v2 =	vmul.f32 $3.846153990e-02, v2;
	v0 =	vadd.f32 v4, v0  }
0x27: {  	v4 =	vld [tilespmem:s14+$0x2010]  }
0x28: {  	v5 =	vld [tilespmem:s14+$0x20];
	v1 =	vadd.f32 v7, v1;
	[tilespmem:s13+$0x4050] =	vst v2;
	v0 =	vmul.f32 $3.846153990e-02, v0  }
0x29: {  	v2 =	vld [tilespmem:s14+$0x2020]  }
0x2a: {  	v3 =	vadd.f32 v3, v8;
	v7 =	vld [tilespmem:s14+$0x30];
	v1 =	vmul.f32 $3.846153990e-02, v1;
	[tilespmem:s13+$0x4060] =	vst v0;
	s13 =	smov.u32 s14  }
0x2b: {  	v0 =	vld [tilespmem:s13+$0x2030]  }
0x2c: {  	v3 =	vmul.f32 $3.846153990e-02, v3;
	v4 =	vadd.f32 v4, v6;
	v6 =	vld [tilespmem:s13+$0x40];
	[tilespmem:s13+$0x4070] =	vst v1  }
0x2d: {  	v8 =	vld [tilespmem:s13+$0x2040]  }
.Ltmp0:
0x2e: {  	[tilespmem:s13+$0x4000] =	vst v3;
	v1 =	vmul.f32 $3.846153990e-02, v4;
	v4 =	vadd.f32 v2, v5;
	v2 =	vld [tilespmem:s13+$0x50];
	(pc) =	sbr.rel @p0 .LBB2_2-.Ltmp0, $4  }
0x2f: {  	v3 =	vld [tilespmem:s13+$0x2050]  }
0x30: {  	[tilespmem:s13+$0x4010] =	vst v1;
	v5 =	vmul.f32 $3.846153990e-02, v4;
	v7 =	vadd.f32 v0, v7;
	v0 =	vld [tilespmem:s13+$0x60]  }
0x31: {  	s14 =	sshra.s32 s15, $0x2;
	v4 =	vld [tilespmem:s13+$0x2060]  }
0x32: {  	s15 =	sadd.s32 $0x200, s15;
	v1 =	vld [tilespmem:s14+$0x70];
	[tilespmem:s13+$0x4020] =	vst v5;
	v5 =	vmul.f32 $3.846153990e-02, v7;
	v6 =	vadd.f32 v8, v6  }
0x33: {  	v7 =	vld [tilespmem:s14+$0x2070]  }
0x34: {  	v8 =	vld [tilespmem:s14+$0x0];
	[tilespmem:s13+$0x4030] =	vst v5;
	v48 =	vmul.f32 $3.846153990e-02, v6;
	v2 =	vadd.f32 v3, v2  }
0x35: {  	v49 =	vld [tilespmem:s14+$0x2000]  }
0x36: {  	v50 =	vld [tilespmem:s14+$0x10];
	[tilespmem:s13+$0x4040] =	vst v48;
	v2 =	vmul.f32 $3.846153990e-02, v2;
	v0 =	vadd.f32 v4, v0  }
0x37: {  	v5 =	vld [tilespmem:s14+$0x2010]  }
0x38: {  	v51 =	vld [tilespmem:s14+$0x20];
	[tilespmem:s13+$0x4050] =	vst v2;
	v0 =	vmul.f32 $3.846153990e-02, v0  }
0x39: {  	v2 =	vld [tilespmem:s14+$0x2020]  }
0x3a: {  	v52 =	vld [tilespmem:s14+$0x30];
	[tilespmem:s13+$0x4060] =	vst v0  }
0x3b: {  	v54 =	vld [tilespmem:s14+$0x2030]  }
0x3c: {  	v55 =	vld [tilespmem:s14+$0x40]  }
0x3d: {  	v57 =	vld [tilespmem:s14+$0x2040]  }
0x3e: {  	v59 =	vld [tilespmem:s14+$0x50]  }
0x3f: {  	v1 =	vadd.f32 v7, v1;
	v60 =	vld [tilespmem:s14+$0x2050]  }
0x40: {  	v53 =	vadd.f32 v49, v8;
	v61 =	vld [tilespmem:s14+$0x60]  }
0x41: {  	v1 =	vmul.f32 $3.846153990e-02, v1;
	v9 =	vld [tilespmem:s14+$0x2060];
	v56 =	vadd.f32 v5, v50  }
0x42: {  	v0 =	vmul.f32 $3.846153990e-02, v53;
	v2 =	vadd.f32 v2, v51  }
0x43: {  	[tilespmem:s14+$0x4070] =	vst v1;
	v58 =	vmul.f32 $3.846153990e-02, v56;
	v62 =	vadd.f32 v54, v52  }
0x44: {  	[tilespmem:s14+$0x4000] =	vst v0;
	v2 =	vmul.f32 $3.846153990e-02, v2;
	v3 =	vadd.f32 v57, v55  }
0x45: {  	[tilespmem:s14+$0x4010] =	vst v58;
	v1 =	vadd.f32 v60, v59;
	v4 =	vmul.f32 $3.846153990e-02, v62  }
0x46: {  	v0 =	vadd.f32 v9, v61;
	[tilespmem:s14+$0x4020] =	vst v2;
	v63 =	vmul.f32 $3.846153990e-02, v3  }
0x47: {  	v1 =	vmul.f32 $3.846153990e-02, v1;
	[tilespmem:s14+$0x4030] =	vst v4  }
0x48: {  	s12 =	sadd.s32 $0x1, s12;
	v0 =	vmul.f32 $3.846153990e-02, v0;
	[tilespmem:s14+$0x4040] =	vst v63  }
0x49: {  	p0 =	sne.s32 s12, s6;
	[tilespmem:s14+$0x4050] =	vst v1  }
.Ltmp1:
0x4a: {  	[tilespmem:s14+$0x4060] =	vst v0;
	(pc) =	sbr.rel @p0 .LBB2_1-.Ltmp1, $4  }
0x4b: {  	[hbm4b:s5+s7] =	stream.strided.scatter [tilespmem:s11], [sflag:$0x1], $0x2000, s8, s7, $0x38;
	[tilespmem:$0x6000] =	vst v63  }
0x4c: {  	_ =	swait.ge [sflag:s9], $0x2000  }
0x4d: {  	[sflag:s9] =	ssyncset.done $0x0  }
0x4e: {  	[sflag:s9] =	ssyncadd.s32 $0xFFFFE000  }
0x4f: {  	_ =	sfence.sel $0x180000  }
0x50: {  	[bflag:$0x0] =	sbarrier.arrive $0xFFFF  }
0x51: {  	p0 =	sne.s32 s1, $0x0;
	_ =	strace $0x9000004A  }
0x52: {  	s0 =	sadd.s32 @!p0 $0x100000, s0;
	[bflag:$0x2] =	sbarrier.arrive $0xFFFF  }
0x53: {  	[sflag:s0] =	ssyncadd.tile.s32 @!p0 $0x1;
	_ =	shalt  }
.Lfunc_end2:
_tile_overlayer_lowered:
.L_overlay_start_2:
0x54: {  	(tag) =	ssettag $0x2  }
0x55: {  	s0 =	rddreg [dreg:$0x0];
	s2 =	stileid.u32  }
0x56: {  	s1 =	rddreg [dreg:$0x1];
	p0 =	sne.s32 s2, $0x0  }
0x57: {  	s3 =	rddreg [dreg:$0x2];
	[bflag:$0x3] =	sbarrier.arrive $0xFFFF;
	s2 =	simm.s32 @!p0 $0x1C01  }
0x58: {  	[timem:s3], [sflag:s2] =	dma.local @!p0 [hbm:s0], s1  }
0x59: {  	s0 =	simm.s32 @!p0 $0x1  }
0x5a: {  	_ =	swait.ge @!p0 [sflag:s0], s1  }
0x5b: {  	s1 =	ssub.s32 @!p0 $0x0, s1;
	[sflag:s0] =	ssyncset.done @!p0 $0x0  }
0x5c: {  	[sflag:s0] =	ssyncadd.s32 @!p0 s1  }
0x5d: {  	[bflag:$0x3] =	sbarrier.arrive $0xFFFF  }
0x5e: {  	_ =	shalt  }

</sc_bundles>
